<compile_context>
chip_gen: v7x
topology: tpu7x:2x2x1
jax: 0.10.2.dev20260603
libtpu: 0.0.44.dev20260713+nightly
codegen_flags: <defaults>
</compile_context>

<pallas_src>
import functools

import jax
import jax.numpy as jnp
from jax import lax
from jax.experimental import pallas as pl
from jax.experimental.pallas import tpu as pltpu
from jax.experimental.pallas import tpu_sc as plsc


def _transpose_table(tt, V, D):
    BL = 8192

    def body(in_ref, out_ref):
        out_ref[...] = in_ref[...].T

    return pl.pallas_call(
        body,
        grid=(pl.cdiv(V, BL),),
        in_specs=[pl.BlockSpec((D, BL), lambda i: (0, i))],
        out_specs=pl.BlockSpec((BL, D), lambda i: (i, 0)),
        out_shape=jax.ShapeDtypeStruct((V, D), jnp.float32),
    )(tt)


def _relayout_out(rows, L, NV, B, D):
    def body(in_ref, out_ref):
        out_ref[0] = in_ref[...].T

    return pl.pallas_call(
        body,
        grid=(L, NV),
        in_specs=[pl.BlockSpec((B, D), lambda l, v: (l * NV + v, 0))],
        out_specs=pl.BlockSpec((1, D, B), lambda l, v: (l, v, 0)),
        out_shape=jax.ShapeDtypeStruct((L, NV * D, B), jnp.float32),
    )(rows)


def _build_gather(N, V, D, nc, ns):
    NW = nc * ns
    n_per_w = N // NW
    C = 800
    NBUF = 4
    K = 2
    assert n_per_w % C == 0
    nchunks = n_per_w // C

    mesh = plsc.VectorSubcoreMesh(core_axis_name="c", subcore_axis_name="s")

    @functools.partial(
        pl.kernel,
        out_type=jax.ShapeDtypeStruct((N, D), jnp.float32),
        mesh=mesh,
        compiler_params=pltpu.CompilerParams(use_tc_tiling_on_sc=False),
        scratch_types=[
            pltpu.VMEM((n_per_w,), jnp.int32),
            pltpu.VMEM((NBUF, C, D), jnp.float32),
            [pltpu.SemaphoreType.DMA] * NBUF,
            [pltpu.SemaphoreType.DMA] * NBUF,
        ],
    )
    def gather_kernel(idx_hbm, table_hbm, out_hbm, idx_v, rows_v, gsem, wsem):
        wid = lax.axis_index("s") * nc + lax.axis_index("c")
        base = wid * n_per_w
        pltpu.sync_copy(idx_hbm.at[pl.ds(base, n_per_w)], idx_v)

        def gather(i):
            b = i % NBUF
            return pltpu.async_copy(
                table_hbm.at[idx_v.at[pl.ds(i * C, C)]], rows_v.at[b], gsem[b]
            )

        def writeback(i):
            b = i % NBUF
            return pltpu.async_copy(
                rows_v.at[b], out_hbm.at[pl.ds(base + i * C, C)], wsem[b]
            )

        gh = [None] * nchunks
        wh = [None] * nchunks
        for i in range(nchunks + K):
            if i < nchunks:
                if i >= NBUF:
                    wh[i - NBUF].wait()
                gh[i] = gather(i)
            j = i - K
            if 0 <= j:
                gh[j].wait()
                wh[j] = writeback(j)
        for j in range(nchunks - NBUF, nchunks):
            wh[j].wait()

    return gather_kernel


def kernel(indices, mask, table):
    B, L, NV = indices.shape
    V, D = table.shape
    N = B * L * NV
    info = plsc.get_sparse_core_info()
    gather_fn = _build_gather(N, V, D, info.num_cores, info.num_subcores)
    tl = _transpose_table(table.T, V, D)
    idx_flat = jnp.transpose(indices, (1, 2, 0)).reshape(N)
    rows = gather_fn(idx_flat, tl)
    outp = _relayout_out(rows, L, NV, B, D)
    return jnp.transpose(outp, (2, 0, 1)), mask

# --- scband reference (transcript-rebuilt; emitter-appended) ---
"""Pipeline reference for scband-dynamic-multi-vocab-token-embedder-7258494730884 (READ-ONLY COPY).

The authoritative reference and input builder live on the scoring server;
editing this copy changes nothing except your own understanding.
"""

import jax, jax.numpy as jnp
import numpy as np

NUM_EMB = 1000000
EMB_DIM = 32
B = 4096
L = 50
NV = 2

def setup_inputs(seed: int = 0) -> dict:
    key = jax.random.key(seed)
    k1, k2, k3 = jax.random.split(key, 3)
    indices = jax.random.randint(k1, (B, L, NV), 0, NUM_EMB, dtype=jnp.int64 if jax.config.jax_enable_x64 else jnp.int32).astype(jnp.int32)
    mask = (jax.random.uniform(k2, (B, L)) > 0.2).astype(jnp.float32)
    table = jax.random.normal(k3, (NUM_EMB, EMB_DIM), dtype=jnp.float32) * 0.02
    return {"indices": indices, "mask": mask, "table": table}

def reference(indices, mask, table):
    # embed_seq_batch: base_embedder.embed_indices over multi-vocab indices
    # indices: (B, L, NV) -> gather -> (B, L, NV, D)
    base_embeds = jnp.take(table, indices, axis=0)
    # torch.split(base_embeds, 1, 2) then squeeze(2) then cat along dim 2
    base_embeds_list = jnp.split(base_embeds, NV, axis=2)
    base_embeds_list = [b.squeeze(2) for b in base_embeds_list]
    cat_embeds = jnp.concatenate(base_embeds_list, axis=2)  # (B, L, NV*D)
    # SequenceBatch(cat_embeds, mask)
    return cat_embeds, mask

if __name__ == "__main__":
    import jax
    _d = setup_inputs()
    print(jax.jit(kernel)(*tuple(_d.values())))

</pallas_src>

<mosaic_0001>
#map = affine_map<(d0, d1) -> (0)>
#map1 = affine_map<(d0, d1) -> (0, 0)>
module attributes {stable_mosaic.version = 14 : i64} {
  func.func @gather_kernel(%arg0: i32, %arg1: i32, %arg2: memref<409600xi32, #tpu.memory_space<hbm>>, %arg3: memref<1000000x32xf32, #tpu.memory_space<hbm>>, %arg4: memref<409600x32xf32, #tpu.memory_space<hbm>>, %arg5: memref<12800xi32, #tpu.memory_space<vmem>>, %arg6: memref<4x800x32xf32, #tpu.memory_space<vmem>>, %arg7: memref<!tpu.dma_semaphore, #tpu.memory_space<semaphore_mem>>, %arg8: memref<!tpu.dma_semaphore, #tpu.memory_space<semaphore_mem>>, %arg9: memref<!tpu.dma_semaphore, #tpu.memory_space<semaphore_mem>>, %arg10: memref<!tpu.dma_semaphore, #tpu.memory_space<semaphore_mem>>, %arg11: memref<!tpu.dma_semaphore, #tpu.memory_space<semaphore_mem>>, %arg12: memref<!tpu.dma_semaphore, #tpu.memory_space<semaphore_mem>>, %arg13: memref<!tpu.dma_semaphore, #tpu.memory_space<semaphore_mem>>, %arg14: memref<!tpu.dma_semaphore, #tpu.memory_space<semaphore_mem>>) attributes {dimension_semantics = [#tpu.dimension_semantics<core_parallel>, #tpu.dimension_semantics<subcore_parallel>], iteration_bounds = array<i64: 2, 16>, scalar_prefetch = 0 : i64, scratch_operands = 10 : i64, tpu.core_type = #tpu.core_type<sc_vector_subcore>, window_params = [{transform_indices = #map}, {transform_indices = #map1}, {transform_indices = #map1}]} {
    %mul3A = arith.constant 2 : i32
    %mul3A_0 = arith.muli %arg1, %mul3A : i32
    %add3A = arith.addi %mul3A_0, %arg0 : i32
    %mul3A_1 = arith.constant 12800 : i32
    %mul3A_2 = arith.muli %add3A, %mul3A_1 : i32
    "tpu.region"() ({
      %run_scoped3A = tpu.sem_alloc : memref<!tpu.dma_semaphore, #tpu.memory_space<semaphore_mem>>
      %dma_start3A_769 = tpu.memref_slice %arg2[%mul3A_2] : memref<409600xi32, #tpu.memory_space<hbm>> -> memref<12800xi32, #tpu.memory_space<hbm>>
      %dma_start3A_770 = tpu.memref_slice %arg2[%mul3A_2] : memref<409600xi32, #tpu.memory_space<hbm>> -> memref<12800xi32, #tpu.memory_space<hbm>>
      tpu.enqueue_dma source(%dma_start3A_770 : memref<12800xi32, #tpu.memory_space<hbm>>) target(%arg5 : memref<12800xi32, #tpu.memory_space<vmem>>) target_semaphore(%run_scoped3A : memref<!tpu.dma_semaphore, #tpu.memory_space<semaphore_mem>>)
      %dma_wait3A_771 = tpu.memref_slice %arg2[%mul3A_2] : memref<409600xi32, #tpu.memory_space<hbm>> -> memref<12800xi32, #tpu.memory_space<hbm>>
      %dma_wait3A_772 = tpu.memref_slice %arg2[%mul3A_2] : memref<409600xi32, #tpu.memory_space<hbm>> -> memref<12800xi32, #tpu.memory_space<hbm>>
      tpu.wait_dma2 semaphore(%run_scoped3A : memref<!tpu.dma_semaphore, #tpu.memory_space<semaphore_mem>>) src(%dma_wait3A_772 : memref<12800xi32, #tpu.memory_space<hbm>>) dst(%arg5 : memref<12800xi32, #tpu.memory_space<vmem>>)
      tpu.yield
    }) : () -> ()
    %dma_start3A = arith.constant 0 : i32
    %dma_start3A_3 = arith.constant 0 : i32
    %dma_start3A_4 = arith.constant 0 : i32
    %dma_start3A_5 = tpu.memref_slice %arg6[%dma_start3A, %dma_start3A_3, %dma_start3A_4] : memref<4x800x32xf32, #tpu.memory_space<vmem>> -> memref<1x800x32xf32, #tpu.memory_space<vmem>>
    %dma_start3A_6 = tpu.memref_squeeze %dma_start3A_5 : memref<1x800x32xf32, #tpu.memory_space<vmem>> -> memref<800x32xf32, #tpu.memory_space<vmem>>
    %dma_start3A_7 = arith.constant 0 : i32
    %dma_start3A_8 = tpu.memref_slice %arg5[%dma_start3A_7] : memref<12800xi32, #tpu.memory_space<vmem>> -> memref<800xi32, #tpu.memory_space<vmem>>
    %dma_start3A_9 = arith.constant 0 : i32
    %dma_start3A_10 = arith.constant 0 : i32
    %dma_start3A_11 = tpu.memref_slice %arg3[%dma_start3A_9, %dma_start3A_10] : memref<1000000x32xf32, #tpu.memory_space<hbm>> -> memref<1000000x32xf32, #tpu.memory_space<hbm>>
    tpu.enqueue_indirect_dma source(%dma_start3A_11 : memref<1000000x32xf32, #tpu.memory_space<hbm>>) target(%dma_start3A_6 : memref<800x32xf32, #tpu.memory_space<vmem>>) offsets(%dma_start3A_8 : memref<800xi32, #tpu.memory_space<vmem>>) semaphore(%arg7 : memref<!tpu.dma_semaphore, #tpu.memory_space<semaphore_mem>>)
    %dma_start3A_12 = arith.constant 1 : i32
    %dma_start3A_13 = arith.constant 0 : i32
    %dma_start3A_14 = arith.constant 0 : i32
    %dma_start3A_15 = tpu.memref_slice %arg6[%dma_start3A_12, %dma_start3A_13, %dma_start3A_14] : memref<4x800x32xf32, #tpu.memory_space<vmem>> -> memref<1x800x32xf32, #tpu.memory_space<vmem>>
    %dma_start3A_16 = tpu.memref_squeeze %dma_start3A_15 : memref<1x800x32xf32, #tpu.memory_space<vmem>> -> memref<800x32xf32, #tpu.memory_space<vmem>>
    %dma_start3A_17 = arith.constant 800 : i32
    %dma_start3A_18 = tpu.memref_slice %arg5[%dma_start3A_17] : memref<12800xi32, #tpu.memory_space<vmem>> -> memref<800xi32, #tpu.memory_space<vmem>>
    %dma_start3A_19 = arith.constant 0 : i32
    %dma_start3A_20 = arith.constant 0 : i32
    %dma_start3A_21 = tpu.memref_slice %arg3[%dma_start3A_19, %dma_start3A_20] : memref<1000000x32xf32, #tpu.memory_space<hbm>> -> memref<1000000x32xf32, #tpu.memory_space<hbm>>
    tpu.enqueue_indirect_dma source(%dma_start3A_21 : memref<1000000x32xf32, #tpu.memory_space<hbm>>) target(%dma_start3A_16 : memref<800x32xf32, #tpu.memory_space<vmem>>) offsets(%dma_start3A_18 : memref<800xi32, #tpu.memory_space<vmem>>) semaphore(%arg8 : memref<!tpu.dma_semaphore, #tpu.memory_space<semaphore_mem>>)
    %dma_start3A_22 = arith.constant 2 : i32
    %dma_start3A_23 = arith.constant 0 : i32
    %dma_start3A_24 = arith.constant 0 : i32
    %dma_start3A_25 = tpu.memref_slice %arg6[%dma_start3A_22, %dma_start3A_23, %dma_start3A_24] : memref<4x800x32xf32, #tpu.memory_space<vmem>> -> memref<1x800x32xf32, #tpu.memory_space<vmem>>
    %dma_start3A_26 = tpu.memref_squeeze %dma_start3A_25 : memref<1x800x32xf32, #tpu.memory_space<vmem>> -> memref<800x32xf32, #tpu.memory_space<vmem>>
    %dma_start3A_27 = arith.constant 1600 : i32
    %dma_start3A_28 = tpu.memref_slice %arg5[%dma_start3A_27] : memref<12800xi32, #tpu.memory_space<vmem>> -> memref<800xi32, #tpu.memory_space<vmem>>
    %dma_start3A_29 = arith.constant 0 : i32
    %dma_start3A_30 = arith.constant 0 : i32
    %dma_start3A_31 = tpu.memref_slice %arg3[%dma_start3A_29, %dma_start3A_30] : memref<1000000x32xf32, #tpu.memory_space<hbm>> -> memref<1000000x32xf32, #tpu.memory_space<hbm>>
    tpu.enqueue_indirect_dma source(%dma_start3A_31 : memref<1000000x32xf32, #tpu.memory_space<hbm>>) target(%dma_start3A_26 : memref<800x32xf32, #tpu.memory_space<vmem>>) offsets(%dma_start3A_28 : memref<800xi32, #tpu.memory_space<vmem>>) semaphore(%arg9 : memref<!tpu.dma_semaphore, #tpu.memory_space<semaphore_mem>>)
    %dma_wait3A = arith.constant 0 : i32
    %dma_wait3A_32 = arith.constant 0 : i32
    %dma_wait3A_33 = arith.constant 0 : i32
    %dma_wait3A_34 = tpu.memref_slice %arg6[%dma_wait3A, %dma_wait3A_32, %dma_wait3A_33] : memref<4x800x32xf32, #tpu.memory_space<vmem>> -> memref<1x800x32xf32, #tpu.memory_space<vmem>>
    %dma_wait3A_35 = tpu.memref_squeeze %dma_wait3A_34 : memref<1x800x32xf32, #tpu.memory_space<vmem>> -> memref<800x32xf32, #tpu.memory_space<vmem>>
    %dma_wait3A_36 = arith.constant 0 : i32
    %dma_wait3A_37 = tpu.memref_slice %arg5[%dma_wait3A_36] : memref<12800xi32, #tpu.memory_space<vmem>> -> memref<800xi32, #tpu.memory_space<vmem>>
    %dma_wait3A_38 = arith.constant 0 : i32
    %dma_wait3A_39 = arith.constant 0 : i32
    %dma_wait3A_40 = tpu.memref_slice %arg3[%dma_wait3A_38, %dma_wait3A_39] : memref<1000000x32xf32, #tpu.memory_space<hbm>> -> memref<1000000x32xf32, #tpu.memory_space<hbm>>
    tpu.wait_indirect_dma semaphore(%arg7 : memref<!tpu.dma_semaphore, #tpu.memory_space<semaphore_mem>>) src(%dma_wait3A_40 : memref<1000000x32xf32, #tpu.memory_space<hbm>>) dst(%dma_wait3A_35 : memref<800x32xf32, #tpu.memory_space<vmem>>)
    %add3A_41 = arith.constant 0 : i32
    %add3A_42 = arith.addi %mul3A_2, %add3A_41 : i32
    %dma_start3A_43 = arith.constant 0 : i32
    %dma_start3A_44 = arith.constant 0 : i32
    %dma_start3A_45 = arith.constant 0 : i32
    %dma_start3A_46 = tpu.memref_slice %arg6[%dma_start3A_43, %dma_start3A_44, %dma_start3A_45] : memref<4x800x32xf32, #tpu.memory_space<vmem>> -> memref<1x800x32xf32, #tpu.memory_space<vmem>>
    %dma_start3A_47 = tpu.memref_squeeze %dma_start3A_46 : memref<1x800x32xf32, #tpu.memory_space<vmem>> -> memref<800x32xf32, #tpu.memory_space<vmem>>
    %dma_start3A_48 = arith.constant 0 : i32
    %dma_start3A_49 = tpu.memref_slice %arg4[%add3A_42, %dma_start3A_48] : memref<409600x32xf32, #tpu.memory_space<hbm>> -> memref<800x32xf32, #tpu.memory_space<hbm>>
    %dma_start3A_50 = arith.constant 0 : i32
    %dma_start3A_51 = tpu.memref_slice %arg4[%add3A_42, %dma_start3A_50] : memref<409600x32xf32, #tpu.memory_space<hbm>> -> memref<800x32xf32, #tpu.memory_space<hbm>>
    %dma_start3A_52 = arith.constant 0 : i32
    %dma_start3A_53 = arith.constant 0 : i32
    %dma_start3A_54 = tpu.memref_slice %arg6[%dma_start3A_43, %dma_start3A_52, %dma_start3A_53] : memref<4x800x32xf32, #tpu.memory_space<vmem>> -> memref<1x800x32xf32, #tpu.memory_space<vmem>>
    %dma_start3A_55 = tpu.memref_squeeze %dma_start3A_54 : memref<1x800x32xf32, #tpu.memory_space<vmem>> -> memref<800x32xf32, #tpu.memory_space<vmem>>
    tpu.enqueue_dma source(%dma_start3A_55 : memref<800x32xf32, #tpu.memory_space<vmem>>) target(%dma_start3A_51 : memref<800x32xf32, #tpu.memory_space<hbm>>) target_semaphore(%arg11 : memref<!tpu.dma_semaphore, #tpu.memory_space<semaphore_mem>>)
    %dma_start3A_56 = arith.constant 3 : i32
    %dma_start3A_57 = arith.constant 0 : i32
    %dma_start3A_58 = arith.constant 0 : i32
    %dma_start3A_59 = tpu.memref_slice %arg6[%dma_start3A_56, %dma_start3A_57, %dma_start3A_58] : memref<4x800x32xf32, #tpu.memory_space<vmem>> -> memref<1x800x32xf32, #tpu.memory_space<vmem>>
    %dma_start3A_60 = tpu.memref_squeeze %dma_start3A_59 : memref<1x800x32xf32, #tpu.memory_space<vmem>> -> memref<800x32xf32, #tpu.memory_space<vmem>>
    %dma_start3A_61 = arith.constant 2400 : i32
    %dma_start3A_62 = tpu.memref_slice %arg5[%dma_start3A_61] : memref<12800xi32, #tpu.memory_space<vmem>> -> memref<800xi32, #tpu.memory_space<vmem>>
    %dma_start3A_63 = arith.constant 0 : i32
    %dma_start3A_64 = arith.constant 0 : i32
    %dma_start3A_65 = tpu.memref_slice %arg3[%dma_start3A_63, %dma_start3A_64] : memref<1000000x32xf32, #tpu.memory_space<hbm>> -> memref<1000000x32xf32, #tpu.memory_space<hbm>>
    tpu.enqueue_indirect_dma source(%dma_start3A_65 : memref<1000000x32xf32, #tpu.memory_space<hbm>>) target(%dma_start3A_60 : memref<800x32xf32, #tpu.memory_space<vmem>>) offsets(%dma_start3A_62 : memref<800xi32, #tpu.memory_space<vmem>>) semaphore(%arg10 : memref<!tpu.dma_semaphore, #tpu.memory_space<semaphore_mem>>)
    %dma_wait3A_66 = arith.constant 1 : i32
    %dma_wait3A_67 = arith.constant 0 : i32
    %dma_wait3A_68 = arith.constant 0 : i32
    %dma_wait3A_69 = tpu.memref_slice %arg6[%dma_wait3A_66, %dma_wait3A_67, %dma_wait3A_68] : memref<4x800x32xf32, #tpu.memory_space<vmem>> -> memref<1x800x32xf32, #tpu.memory_space<vmem>>
    %dma_wait3A_70 = tpu.memref_squeeze %dma_wait3A_69 : memref<1x800x32xf32, #tpu.memory_space<vmem>> -> memref<800x32xf32, #tpu.memory_space<vmem>>
    %dma_wait3A_71 = arith.constant 800 : i32
    %dma_wait3A_72 = tpu.memref_slice %arg5[%dma_wait3A_71] : memref<12800xi32, #tpu.memory_space<vmem>> -> memref<800xi32, #tpu.memory_space<vmem>>
    %dma_wait3A_73 = arith.constant 0 : i32
    %dma_wait3A_74 = arith.constant 0 : i32
    %dma_wait3A_75 = tpu.memref_slice %arg3[%dma_wait3A_73, %dma_wait3A_74] : memref<1000000x32xf32, #tpu.memory_space<hbm>> -> memref<1000000x32xf32, #tpu.memory_space<hbm>>
    tpu.wait_indirect_dma semaphore(%arg8 : memref<!tpu.dma_semaphore, #tpu.memory_space<semaphore_mem>>) src(%dma_wait3A_75 : memref<1000000x32xf32, #tpu.memory_space<hbm>>) dst(%dma_wait3A_70 : memref<800x32xf32, #tpu.memory_space<vmem>>)
    %add3A_76 = arith.constant 800 : i32
    %add3A_77 = arith.addi %mul3A_2, %add3A_76 : i32
    %dma_start3A_78 = arith.constant 1 : i32
    %dma_start3A_79 = arith.constant 0 : i32
    %dma_start3A_80 = arith.constant 0 : i32
    %dma_start3A_81 = tpu.memref_slice %arg6[%dma_start3A_78, %dma_start3A_79, %dma_start3A_80] : memref<4x800x32xf32, #tpu.memory_space<vmem>> -> memref<1x800x32xf32, #tpu.memory_space<vmem>>
    %dma_start3A_82 = tpu.memref_squeeze %dma_start3A_81 : memref<1x800x32xf32, #tpu.memory_space<vmem>> -> memref<800x32xf32, #tpu.memory_space<vmem>>
    %dma_start3A_83 = arith.constant 0 : i32
    %dma_start3A_84 = tpu.memref_slice %arg4[%add3A_77, %dma_start3A_83] : memref<409600x32xf32, #tpu.memory_space<hbm>> -> memref<800x32xf32, #tpu.memory_space<hbm>>
    %dma_start3A_85 = arith.constant 0 : i32
    %dma_start3A_86 = tpu.memref_slice %arg4[%add3A_77, %dma_start3A_85] : memref<409600x32xf32, #tpu.memory_space<hbm>> -> memref<800x32xf32, #tpu.memory_space<hbm>>
    %dma_start3A_87 = arith.constant 0 : i32
    %dma_start3A_88 = arith.constant 0 : i32
    %dma_start3A_89 = tpu.memref_slice %arg6[%dma_start3A_78, %dma_start3A_87, %dma_start3A_88] : memref<4x800x32xf32, #tpu.memory_space<vmem>> -> memref<1x800x32xf32, #tpu.memory_space<vmem>>
    %dma_start3A_90 = tpu.memref_squeeze %dma_start3A_89 : memref<1x800x32xf32, #tpu.memory_space<vmem>> -> memref<800x32xf32, #tpu.memory_space<vmem>>
    tpu.enqueue_dma source(%dma_start3A_90 : memref<800x32xf32, #tpu.memory_space<vmem>>) target(%dma_start3A_86 : memref<800x32xf32, #tpu.memory_space<hbm>>) target_semaphore(%arg12 : memref<!tpu.dma_semaphore, #tpu.memory_space<semaphore_mem>>)
    %dma_wait3A_91 = arith.constant 0 : i32
    %dma_wait3A_92 = arith.constant 0 : i32
    %dma_wait3A_93 = arith.constant 0 : i32
    %dma_wait3A_94 = tpu.memref_slice %arg6[%dma_wait3A_91, %dma_wait3A_92, %dma_wait3A_93] : memref<4x800x32xf32, #tpu.memory_space<vmem>> -> memref<1x800x32xf32, #tpu.memory_space<vmem>>
    %dma_wait3A_95 = tpu.memref_squeeze %dma_wait3A_94 : memref<1x800x32xf32, #tpu.memory_space<vmem>> -> memref<800x32xf32, #tpu.memory_space<vmem>>
    %dma_wait3A_96 = arith.constant 0 : i32
    %dma_wait3A_97 = tpu.memref_slice %arg4[%add3A_42, %dma_wait3A_96] : memref<409600x32xf32, #tpu.memory_space<hbm>> -> memref<800x32xf32, #tpu.memory_space<hbm>>
    %dma_wait3A_98 = arith.constant 0 : i32
    %dma_wait3A_99 = tpu.memref_slice %arg4[%add3A_42, %dma_wait3A_98] : memref<409600x32xf32, #tpu.memory_space<hbm>> -> memref<800x32xf32, #tpu.memory_space<hbm>>
    %dma_wait3A_100 = arith.constant 0 : i32
    %dma_wait3A_101 = arith.constant 0 : i32
    %dma_wait3A_102 = tpu.memref_slice %arg6[%dma_wait3A_91, %dma_wait3A_100, %dma_wait3A_101] : memref<4x800x32xf32, #tpu.memory_space<vmem>> -> memref<1x800x32xf32, #tpu.memory_space<vmem>>
    %dma_wait3A_103 = tpu.memref_squeeze %dma_wait3A_102 : memref<1x800x32xf32, #tpu.memory_space<vmem>> -> memref<800x32xf32, #tpu.memory_space<vmem>>
    tpu.wait_dma2 semaphore(%arg11 : memref<!tpu.dma_semaphore, #tpu.memory_space<semaphore_mem>>) src(%dma_wait3A_103 : memref<800x32xf32, #tpu.memory_space<vmem>>) dst(%dma_wait3A_99 : memref<800x32xf32, #tpu.memory_space<hbm>>)
    %dma_start3A_104 = arith.constant 0 : i32
    %dma_start3A_105 = arith.constant 0 : i32
    %dma_start3A_106 = arith.constant 0 : i32
    %dma_start3A_107 = tpu.memref_slice %arg6[%dma_start3A_104, %dma_start3A_105, %dma_start3A_106] : memref<4x800x32xf32, #tpu.memory_space<vmem>> -> memref<1x800x32xf32, #tpu.memory_space<vmem>>
    %dma_start3A_108 = tpu.memref_squeeze %dma_start3A_107 : memref<1x800x32xf32, #tpu.memory_space<vmem>> -> memref<800x32xf32, #tpu.memory_space<vmem>>
    %dma_start3A_109 = arith.constant 3200 : i32
    %dma_start3A_110 = tpu.memref_slice %arg5[%dma_start3A_109] : memref<12800xi32, #tpu.memory_space<vmem>> -> memref<800xi32, #tpu.memory_space<vmem>>
    %dma_start3A_111 = arith.constant 0 : i32
    %dma_start3A_112 = arith.constant 0 : i32
    %dma_start3A_113 = tpu.memref_slice %arg3[%dma_start3A_111, %dma_start3A_112] : memref<1000000x32xf32, #tpu.memory_space<hbm>> -> memref<1000000x32xf32, #tpu.memory_space<hbm>>
    tpu.enqueue_indirect_dma source(%dma_start3A_113 : memref<1000000x32xf32, #tpu.memory_space<hbm>>) target(%dma_start3A_108 : memref<800x32xf32, #tpu.memory_space<vmem>>) offsets(%dma_start3A_110 : memref<800xi32, #tpu.memory_space<vmem>>) semaphore(%arg7 : memref<!tpu.dma_semaphore, #tpu.memory_space<semaphore_mem>>)
    %dma_wait3A_114 = arith.constant 2 : i32
    %dma_wait3A_115 = arith.constant 0 : i32
    %dma_wait3A_116 = arith.constant 0 : i32
    %dma_wait3A_117 = tpu.memref_slice %arg6[%dma_wait3A_114, %dma_wait3A_115, %dma_wait3A_116] : memref<4x800x32xf32, #tpu.memory_space<vmem>> -> memref<1x800x32xf32, #tpu.memory_space<vmem>>
    %dma_wait3A_118 = tpu.memref_squeeze %dma_wait3A_117 : memref<1x800x32xf32, #tpu.memory_space<vmem>> -> memref<800x32xf32, #tpu.memory_space<vmem>>
    %dma_wait3A_119 = arith.constant 1600 : i32
    %dma_wait3A_120 = tpu.memref_slice %arg5[%dma_wait3A_119] : memref<12800xi32, #tpu.memory_space<vmem>> -> memref<800xi32, #tpu.memory_space<vmem>>
    %dma_wait3A_121 = arith.constant 0 : i32
    %dma_wait3A_122 = arith.constant 0 : i32
    %dma_wait3A_123 = tpu.memref_slice %arg3[%dma_wait3A_121, %dma_wait3A_122] : memref<1000000x32xf32, #tpu.memory_space<hbm>> -> memref<1000000x32xf32, #tpu.memory_space<hbm>>
    tpu.wait_indirect_dma semaphore(%arg9 : memref<!tpu.dma_semaphore, #tpu.memory_space<semaphore_mem>>) src(%dma_wait3A_123 : memref<1000000x32xf32, #tpu.memory_space<hbm>>) dst(%dma_wait3A_118 : memref<800x32xf32, #tpu.memory_space<vmem>>)
    %add3A_124 = arith.constant 1600 : i32
    %add3A_125 = arith.addi %mul3A_2, %add3A_124 : i32
    %dma_start3A_126 = arith.constant 2 : i32
    %dma_start3A_127 = arith.constant 0 : i32
    %dma_start3A_128 = arith.constant 0 : i32
    %dma_start3A_129 = tpu.memref_slice %arg6[%dma_start3A_126, %dma_start3A_127, %dma_start3A_128] : memref<4x800x32xf32, #tpu.memory_space<vmem>> -> memref<1x800x32xf32, #tpu.memory_space<vmem>>
    %dma_start3A_130 = tpu.memref_squeeze %dma_start3A_129 : memref<1x800x32xf32, #tpu.memory_space<vmem>> -> memref<800x32xf32, #tpu.memory_space<vmem>>
    %dma_start3A_131 = arith.constant 0 : i32
    %dma_start3A_132 = tpu.memref_slice %arg4[%add3A_125, %dma_start3A_131] : memref<409600x32xf32, #tpu.memory_space<hbm>> -> memref<800x32xf32, #tpu.memory_space<hbm>>
    %dma_start3A_133 = arith.constant 0 : i32
    %dma_start3A_134 = tpu.memref_slice %arg4[%add3A_125, %dma_start3A_133] : memref<409600x32xf32, #tpu.memory_space<hbm>> -> memref<800x32xf32, #tpu.memory_space<hbm>>
    %dma_start3A_135 = arith.constant 0 : i32
    %dma_start3A_136 = arith.constant 0 : i32
    %dma_start3A_137 = tpu.memref_slice %arg6[%dma_start3A_126, %dma_start3A_135, %dma_start3A_136] : memref<4x800x32xf32, #tpu.memory_space<vmem>> -> memref<1x800x32xf32, #tpu.memory_space<vmem>>
    %dma_start3A_138 = tpu.memref_squeeze %dma_start3A_137 : memref<1x800x32xf32, #tpu.memory_space<vmem>> -> memref<800x32xf32, #tpu.memory_space<vmem>>
    tpu.enqueue_dma source(%dma_start3A_138 : memref<800x32xf32, #tpu.memory_space<vmem>>) target(%dma_start3A_134 : memref<800x32xf32, #tpu.memory_space<hbm>>) target_semaphore(%arg13 : memref<!tpu.dma_semaphore, #tpu.memory_space<semaphore_mem>>)
    %dma_wait3A_139 = arith.constant 1 : i32
    %dma_wait3A_140 = arith.constant 0 : i32
    %dma_wait3A_141 = arith.constant 0 : i32
    %dma_wait3A_142 = tpu.memref_slice %arg6[%dma_wait3A_139, %dma_wait3A_140, %dma_wait3A_141] : memref<4x800x32xf32, #tpu.memory_space<vmem>> -> memref<1x800x32xf32, #tpu.memory_space<vmem>>
    %dma_wait3A_143 = tpu.memref_squeeze %dma_wait3A_142 : memref<1x800x32xf32, #tpu.memory_space<vmem>> -> memref<800x32xf32, #tpu.memory_space<vmem>>
    %dma_wait3A_144 = arith.constant 0 : i32
    %dma_wait3A_145 = tpu.memref_slice %arg4[%add3A_77, %dma_wait3A_144] : memref<409600x32xf32, #tpu.memory_space<hbm>> -> memref<800x32xf32, #tpu.memory_space<hbm>>
    %dma_wait3A_146 = arith.constant 0 : i32
    %dma_wait3A_147 = tpu.memref_slice %arg4[%add3A_77, %dma_wait3A_146] : memref<409600x32xf32, #tpu.memory_space<hbm>> -> memref<800x32xf32, #tpu.memory_space<hbm>>
    %dma_wait3A_148 = arith.constant 0 : i32
    %dma_wait3A_149 = arith.constant 0 : i32
    %dma_wait3A_150 = tpu.memref_slice %arg6[%dma_wait3A_139, %dma_wait3A_148, %dma_wait3A_149] : memref<4x800x32xf32, #tpu.memory_space<vmem>> -> memref<1x800x32xf32, #tpu.memory_space<vmem>>
    %dma_wait3A_151 = tpu.memref_squeeze %dma_wait3A_150 : memref<1x800x32xf32, #tpu.memory_space<vmem>> -> memref<800x32xf32, #tpu.memory_space<vmem>>
    tpu.wait_dma2 semaphore(%arg12 : memref<!tpu.dma_semaphore, #tpu.memory_space<semaphore_mem>>) src(%dma_wait3A_151 : memref<800x32xf32, #tpu.memory_space<vmem>>) dst(%dma_wait3A_147 : memref<800x32xf32, #tpu.memory_space<hbm>>)
    %dma_start3A_152 = arith.constant 1 : i32
    %dma_start3A_153 = arith.constant 0 : i32
    %dma_start3A_154 = arith.constant 0 : i32
    %dma_start3A_155 = tpu.memref_slice %arg6[%dma_start3A_152, %dma_start3A_153, %dma_start3A_154] : memref<4x800x32xf32, #tpu.memory_space<vmem>> -> memref<1x800x32xf32, #tpu.memory_space<vmem>>
    %dma_start3A_156 = tpu.memref_squeeze %dma_start3A_155 : memref<1x800x32xf32, #tpu.memory_space<vmem>> -> memref<800x32xf32, #tpu.memory_space<vmem>>
    %dma_start3A_157 = arith.constant 4000 : i32
    %dma_start3A_158 = tpu.memref_slice %arg5[%dma_start3A_157] : memref<12800xi32, #tpu.memory_space<vmem>> -> memref<800xi32, #tpu.memory_space<vmem>>
    %dma_start3A_159 = arith.constant 0 : i32
    %dma_start3A_160 = arith.constant 0 : i32
    %dma_start3A_161 = tpu.memref_slice %arg3[%dma_start3A_159, %dma_start3A_160] : memref<1000000x32xf32, #tpu.memory_space<hbm>> -> memref<1000000x32xf32, #tpu.memory_space<hbm>>
    tpu.enqueue_indirect_dma source(%dma_start3A_161 : memref<1000000x32xf32, #tpu.memory_space<hbm>>) target(%dma_start3A_156 : memref<800x32xf32, #tpu.memory_space<vmem>>) offsets(%dma_start3A_158 : memref<800xi32, #tpu.memory_space<vmem>>) semaphore(%arg8 : memref<!tpu.dma_semaphore, #tpu.memory_space<semaphore_mem>>)
    %dma_wait3A_162 = arith.constant 3 : i32
    %dma_wait3A_163 = arith.constant 0 : i32
    %dma_wait3A_164 = arith.constant 0 : i32
    %dma_wait3A_165 = tpu.memref_slice %arg6[%dma_wait3A_162, %dma_wait3A_163, %dma_wait3A_164] : memref<4x800x32xf32, #tpu.memory_space<vmem>> -> memref<1x800x32xf32, #tpu.memory_space<vmem>>
    %dma_wait3A_166 = tpu.memref_squeeze %dma_wait3A_165 : memref<1x800x32xf32, #tpu.memory_space<vmem>> -> memref<800x32xf32, #tpu.memory_space<vmem>>
    %dma_wait3A_167 = arith.constant 2400 : i32
    %dma_wait3A_168 = tpu.memref_slice %arg5[%dma_wait3A_167] : memref<12800xi32, #tpu.memory_space<vmem>> -> memref<800xi32, #tpu.memory_space<vmem>>
    %dma_wait3A_169 = arith.constant 0 : i32
    %dma_wait3A_170 = arith.constant 0 : i32
    %dma_wait3A_171 = tpu.memref_slice %arg3[%dma_wait3A_169, %dma_wait3A_170] : memref<1000000x32xf32, #tpu.memory_space<hbm>> -> memref<1000000x32xf32, #tpu.memory_space<hbm>>
    tpu.wait_indirect_dma semaphore(%arg10 : memref<!tpu.dma_semaphore, #tpu.memory_space<semaphore_mem>>) src(%dma_wait3A_171 : memref<1000000x32xf32, #tpu.memory_space<hbm>>) dst(%dma_wait3A_166 : memref<800x32xf32, #tpu.memory_space<vmem>>)
    %add3A_172 = arith.constant 2400 : i32
    %add3A_173 = arith.addi %mul3A_2, %add3A_172 : i32
    %dma_start3A_174 = arith.constant 3 : i32
    %dma_start3A_175 = arith.constant 0 : i32
    %dma_start3A_176 = arith.constant 0 : i32
    %dma_start3A_177 = tpu.memref_slice %arg6[%dma_start3A_174, %dma_start3A_175, %dma_start3A_176] : memref<4x800x32xf32, #tpu.memory_space<vmem>> -> memref<1x800x32xf32, #tpu.memory_space<vmem>>
    %dma_start3A_178 = tpu.memref_squeeze %dma_start3A_177 : memref<1x800x32xf32, #tpu.memory_space<vmem>> -> memref<800x32xf32, #tpu.memory_space<vmem>>
    %dma_start3A_179 = arith.constant 0 : i32
    %dma_start3A_180 = tpu.memref_slice %arg4[%add3A_173, %dma_start3A_179] : memref<409600x32xf32, #tpu.memory_space<hbm>> -> memref<800x32xf32, #tpu.memory_space<hbm>>
    %dma_start3A_181 = arith.constant 0 : i32
    %dma_start3A_182 = tpu.memref_slice %arg4[%add3A_173, %dma_start3A_181] : memref<409600x32xf32, #tpu.memory_space<hbm>> -> memref<800x32xf32, #tpu.memory_space<hbm>>
    %dma_start3A_183 = arith.constant 0 : i32
    %dma_start3A_184 = arith.constant 0 : i32
    %dma_start3A_185 = tpu.memref_slice %arg6[%dma_start3A_174, %dma_start3A_183, %dma_start3A_184] : memref<4x800x32xf32, #tpu.memory_space<vmem>> -> memref<1x800x32xf32, #tpu.memory_space<vmem>>
    %dma_start3A_186 = tpu.memref_squeeze %dma_start3A_185 : memref<1x800x32xf32, #tpu.memory_space<vmem>> -> memref<800x32xf32, #tpu.memory_space<vmem>>
    tpu.enqueue_dma source(%dma_start3A_186 : memref<800x32xf32, #tpu.memory_space<vmem>>) target(%dma_start3A_182 : memref<800x32xf32, #tpu.memory_space<hbm>>) target_semaphore(%arg14 : memref<!tpu.dma_semaphore, #tpu.memory_space<semaphore_mem>>)
    %dma_wait3A_187 = arith.constant 2 : i32
    %dma_wait3A_188 = arith.constant 0 : i32
    %dma_wait3A_189 = arith.constant 0 : i32
    %dma_wait3A_190 = tpu.memref_slice %arg6[%dma_wait3A_187, %dma_wait3A_188, %dma_wait3A_189] : memref<4x800x32xf32, #tpu.memory_space<vmem>> -> memref<1x800x32xf32, #tpu.memory_space<vmem>>
    %dma_wait3A_191 = tpu.memref_squeeze %dma_wait3A_190 : memref<1x800x32xf32, #tpu.memory_space<vmem>> -> memref<800x32xf32, #tpu.memory_space<vmem>>
    %dma_wait3A_192 = arith.constant 0 : i32
    %dma_wait3A_193 = tpu.memref_slice %arg4[%add3A_125, %dma_wait3A_192] : memref<409600x32xf32, #tpu.memory_space<hbm>> -> memref<800x32xf32, #tpu.memory_space<hbm>>
    %dma_wait3A_194 = arith.constant 0 : i32
    %dma_wait3A_195 = tpu.memref_slice %arg4[%add3A_125, %dma_wait3A_194] : memref<409600x32xf32, #tpu.memory_space<hbm>> -> memref<800x32xf32, #tpu.memory_space<hbm>>
    %dma_wait3A_196 = arith.constant 0 : i32
    %dma_wait3A_197 = arith.constant 0 : i32
    %dma_wait3A_198 = tpu.memref_slice %arg6[%dma_wait3A_187, %dma_wait3A_196, %dma_wait3A_197] : memref<4x800x32xf32, #tpu.memory_space<vmem>> -> memref<1x800x32xf32, #tpu.memory_space<vmem>>
    %dma_wait3A_199 = tpu.memref_squeeze %dma_wait3A_198 : memref<1x800x32xf32, #tpu.memory_space<vmem>> -> memref<800x32xf32, #tpu.memory_space<vmem>>
    tpu.wait_dma2 semaphore(%arg13 : memref<!tpu.dma_semaphore, #tpu.memory_space<semaphore_mem>>) src(%dma_wait3A_199 : memref<800x32xf32, #tpu.memory_space<vmem>>) dst(%dma_wait3A_195 : memref<800x32xf32, #tpu.memory_space<hbm>>)
    %dma_start3A_200 = arith.constant 2 : i32
    %dma_start3A_201 = arith.constant 0 : i32
    %dma_start3A_202 = arith.constant 0 : i32
    %dma_start3A_203 = tpu.memref_slice %arg6[%dma_start3A_200, %dma_start3A_201, %dma_start3A_202] : memref<4x800x32xf32, #tpu.memory_space<vmem>> -> memref<1x800x32xf32, #tpu.memory_space<vmem>>
    %dma_start3A_204 = tpu.memref_squeeze %dma_start3A_203 : memref<1x800x32xf32, #tpu.memory_space<vmem>> -> memref<800x32xf32, #tpu.memory_space<vmem>>
    %dma_start3A_205 = arith.constant 4800 : i32
    %dma_start3A_206 = tpu.memref_slice %arg5[%dma_start3A_205] : memref<12800xi32, #tpu.memory_space<vmem>> -> memref<800xi32, #tpu.memory_space<vmem>>
    %dma_start3A_207 = arith.constant 0 : i32
    %dma_start3A_208 = arith.constant 0 : i32
    %dma_start3A_209 = tpu.memref_slice %arg3[%dma_start3A_207, %dma_start3A_208] : memref<1000000x32xf32, #tpu.memory_space<hbm>> -> memref<1000000x32xf32, #tpu.memory_space<hbm>>
    tpu.enqueue_indirect_dma source(%dma_start3A_209 : memref<1000000x32xf32, #tpu.memory_space<hbm>>) target(%dma_start3A_204 : memref<800x32xf32, #tpu.memory_space<vmem>>) offsets(%dma_start3A_206 : memref<800xi32, #tpu.memory_space<vmem>>) semaphore(%arg9 : memref<!tpu.dma_semaphore, #tpu.memory_space<semaphore_mem>>)
    %dma_wait3A_210 = arith.constant 0 : i32
    %dma_wait3A_211 = arith.constant 0 : i32
    %dma_wait3A_212 = arith.constant 0 : i32
    %dma_wait3A_213 = tpu.memref_slice %arg6[%dma_wait3A_210, %dma_wait3A_211, %dma_wait3A_212] : memref<4x800x32xf32, #tpu.memory_space<vmem>> -> memref<1x800x32xf32, #tpu.memory_space<vmem>>
    %dma_wait3A_214 = tpu.memref_squeeze %dma_wait3A_213 : memref<1x800x32xf32, #tpu.memory_space<vmem>> -> memref<800x32xf32, #tpu.memory_space<vmem>>
    %dma_wait3A_215 = arith.constant 3200 : i32
    %dma_wait3A_216 = tpu.memref_slice %arg5[%dma_wait3A_215] : memref<12800xi32, #tpu.memory_space<vmem>> -> memref<800xi32, #tpu.memory_space<vmem>>
    %dma_wait3A_217 = arith.constant 0 : i32
    %dma_wait3A_218 = arith.constant 0 : i32
    %dma_wait3A_219 = tpu.memref_slice %arg3[%dma_wait3A_217, %dma_wait3A_218] : memref<1000000x32xf32, #tpu.memory_space<hbm>> -> memref<1000000x32xf32, #tpu.memory_space<hbm>>
    tpu.wait_indirect_dma semaphore(%arg7 : memref<!tpu.dma_semaphore, #tpu.memory_space<semaphore_mem>>) src(%dma_wait3A_219 : memref<1000000x32xf32, #tpu.memory_space<hbm>>) dst(%dma_wait3A_214 : memref<800x32xf32, #tpu.memory_space<vmem>>)
    %add3A_220 = arith.constant 3200 : i32
    %add3A_221 = arith.addi %mul3A_2, %add3A_220 : i32
    %dma_start3A_222 = arith.constant 0 : i32
    %dma_start3A_223 = arith.constant 0 : i32
    %dma_start3A_224 = arith.constant 0 : i32
    %dma_start3A_225 = tpu.memref_slice %arg6[%dma_start3A_222, %dma_start3A_223, %dma_start3A_224] : memref<4x800x32xf32, #tpu.memory_space<vmem>> -> memref<1x800x32xf32, #tpu.memory_space<vmem>>
    %dma_start3A_226 = tpu.memref_squeeze %dma_start3A_225 : memref<1x800x32xf32, #tpu.memory_space<vmem>> -> memref<800x32xf32, #tpu.memory_space<vmem>>
    %dma_start3A_227 = arith.constant 0 : i32
    %dma_start3A_228 = tpu.memref_slice %arg4[%add3A_221, %dma_start3A_227] : memref<409600x32xf32, #tpu.memory_space<hbm>> -> memref<800x32xf32, #tpu.memory_space<hbm>>
    %dma_start3A_229 = arith.constant 0 : i32
    %dma_start3A_230 = tpu.memref_slice %arg4[%add3A_221, %dma_start3A_229] : memref<409600x32xf32, #tpu.memory_space<hbm>> -> memref<800x32xf32, #tpu.memory_space<hbm>>
    %dma_start3A_231 = arith.constant 0 : i32
    %dma_start3A_232 = arith.constant 0 : i32
    %dma_start3A_233 = tpu.memref_slice %arg6[%dma_start3A_222, %dma_start3A_231, %dma_start3A_232] : memref<4x800x32xf32, #tpu.memory_space<vmem>> -> memref<1x800x32xf32, #tpu.memory_space<vmem>>
    %dma_start3A_234 = tpu.memref_squeeze %dma_start3A_233 : memref<1x800x32xf32, #tpu.memory_space<vmem>> -> memref<800x32xf32, #tpu.memory_space<vmem>>
    tpu.enqueue_dma source(%dma_start3A_234 : memref<800x32xf32, #tpu.memory_space<vmem>>) target(%dma_start3A_230 : memref<800x32xf32, #tpu.memory_space<hbm>>) target_semaphore(%arg11 : memref<!tpu.dma_semaphore, #tpu.memory_space<semaphore_mem>>)
    %dma_wait3A_235 = arith.constant 3 : i32
    %dma_wait3A_236 = arith.constant 0 : i32
    %dma_wait3A_237 = arith.constant 0 : i32
    %dma_wait3A_238 = tpu.memref_slice %arg6[%dma_wait3A_235, %dma_wait3A_236, %dma_wait3A_237] : memref<4x800x32xf32, #tpu.memory_space<vmem>> -> memref<1x800x32xf32, #tpu.memory_space<vmem>>
    %dma_wait3A_239 = tpu.memref_squeeze %dma_wait3A_238 : memref<1x800x32xf32, #tpu.memory_space<vmem>> -> memref<800x32xf32, #tpu.memory_space<vmem>>
    %dma_wait3A_240 = arith.constant 0 : i32
    %dma_wait3A_241 = tpu.memref_slice %arg4[%add3A_173, %dma_wait3A_240] : memref<409600x32xf32, #tpu.memory_space<hbm>> -> memref<800x32xf32, #tpu.memory_space<hbm>>
    %dma_wait3A_242 = arith.constant 0 : i32
    %dma_wait3A_243 = tpu.memref_slice %arg4[%add3A_173, %dma_wait3A_242] : memref<409600x32xf32, #tpu.memory_space<hbm>> -> memref<800x32xf32, #tpu.memory_space<hbm>>
    %dma_wait3A_244 = arith.constant 0 : i32
    %dma_wait3A_245 = arith.constant 0 : i32
    %dma_wait3A_246 = tpu.memref_slice %arg6[%dma_wait3A_235, %dma_wait3A_244, %dma_wait3A_245] : memref<4x800x32xf32, #tpu.memory_space<vmem>> -> memref<1x800x32xf32, #tpu.memory_space<vmem>>
    %dma_wait3A_247 = tpu.memref_squeeze %dma_wait3A_246 : memref<1x800x32xf32, #tpu.memory_space<vmem>> -> memref<800x32xf32, #tpu.memory_space<vmem>>
    tpu.wait_dma2 semaphore(%arg14 : memref<!tpu.dma_semaphore, #tpu.memory_space<semaphore_mem>>) src(%dma_wait3A_247 : memref<800x32xf32, #tpu.memory_space<vmem>>) dst(%dma_wait3A_243 : memref<800x32xf32, #tpu.memory_space<hbm>>)
    %dma_start3A_248 = arith.constant 3 : i32
    %dma_start3A_249 = arith.constant 0 : i32
    %dma_start3A_250 = arith.constant 0 : i32
    %dma_start3A_251 = tpu.memref_slice %arg6[%dma_start3A_248, %dma_start3A_249, %dma_start3A_250] : memref<4x800x32xf32, #tpu.memory_space<vmem>> -> memref<1x800x32xf32, #tpu.memory_space<vmem>>
    %dma_start3A_252 = tpu.memref_squeeze %dma_start3A_251 : memref<1x800x32xf32, #tpu.memory_space<vmem>> -> memref<800x32xf32, #tpu.memory_space<vmem>>
    %dma_start3A_253 = arith.constant 5600 : i32
    %dma_start3A_254 = tpu.memref_slice %arg5[%dma_start3A_253] : memref<12800xi32, #tpu.memory_space<vmem>> -> memref<800xi32, #tpu.memory_space<vmem>>
    %dma_start3A_255 = arith.constant 0 : i32
    %dma_start3A_256 = arith.constant 0 : i32
    %dma_start3A_257 = tpu.memref_slice %arg3[%dma_start3A_255, %dma_start3A_256] : memref<1000000x32xf32, #tpu.memory_space<hbm>> -> memref<1000000x32xf32, #tpu.memory_space<hbm>>
    tpu.enqueue_indirect_dma source(%dma_start3A_257 : memref<1000000x32xf32, #tpu.memory_space<hbm>>) target(%dma_start3A_252 : memref<800x32xf32, #tpu.memory_space<vmem>>) offsets(%dma_start3A_254 : memref<800xi32, #tpu.memory_space<vmem>>) semaphore(%arg10 : memref<!tpu.dma_semaphore, #tpu.memory_space<semaphore_mem>>)
    %dma_wait3A_258 = arith.constant 1 : i32
    %dma_wait3A_259 = arith.constant 0 : i32
    %dma_wait3A_260 = arith.constant 0 : i32
    %dma_wait3A_261 = tpu.memref_slice %arg6[%dma_wait3A_258, %dma_wait3A_259, %dma_wait3A_260] : memref<4x800x32xf32, #tpu.memory_space<vmem>> -> memref<1x800x32xf32, #tpu.memory_space<vmem>>
    %dma_wait3A_262 = tpu.memref_squeeze %dma_wait3A_261 : memref<1x800x32xf32, #tpu.memory_space<vmem>> -> memref<800x32xf32, #tpu.memory_space<vmem>>
    %dma_wait3A_263 = arith.constant 4000 : i32
    %dma_wait3A_264 = tpu.memref_slice %arg5[%dma_wait3A_263] : memref<12800xi32, #tpu.memory_space<vmem>> -> memref<800xi32, #tpu.memory_space<vmem>>
    %dma_wait3A_265 = arith.constant 0 : i32
    %dma_wait3A_266 = arith.constant 0 : i32
    %dma_wait3A_267 = tpu.memref_slice %arg3[%dma_wait3A_265, %dma_wait3A_266] : memref<1000000x32xf32, #tpu.memory_space<hbm>> -> memref<1000000x32xf32, #tpu.memory_space<hbm>>
    tpu.wait_indirect_dma semaphore(%arg8 : memref<!tpu.dma_semaphore, #tpu.memory_space<semaphore_mem>>) src(%dma_wait3A_267 : memref<1000000x32xf32, #tpu.memory_space<hbm>>) dst(%dma_wait3A_262 : memref<800x32xf32, #tpu.memory_space<vmem>>)
    %add3A_268 = arith.constant 4000 : i32
    %add3A_269 = arith.addi %mul3A_2, %add3A_268 : i32
    %dma_start3A_270 = arith.constant 1 : i32
    %dma_start3A_271 = arith.constant 0 : i32
    %dma_start3A_272 = arith.constant 0 : i32
    %dma_start3A_273 = tpu.memref_slice %arg6[%dma_start3A_270, %dma_start3A_271, %dma_start3A_272] : memref<4x800x32xf32, #tpu.memory_space<vmem>> -> memref<1x800x32xf32, #tpu.memory_space<vmem>>
    %dma_start3A_274 = tpu.memref_squeeze %dma_start3A_273 : memref<1x800x32xf32, #tpu.memory_space<vmem>> -> memref<800x32xf32, #tpu.memory_space<vmem>>
    %dma_start3A_275 = arith.constant 0 : i32
    %dma_start3A_276 = tpu.memref_slice %arg4[%add3A_269, %dma_start3A_275] : memref<409600x32xf32, #tpu.memory_space<hbm>> -> memref<800x32xf32, #tpu.memory_space<hbm>>
    %dma_start3A_277 = arith.constant 0 : i32
    %dma_start3A_278 = tpu.memref_slice %arg4[%add3A_269, %dma_start3A_277] : memref<409600x32xf32, #tpu.memory_space<hbm>> -> memref<800x32xf32, #tpu.memory_space<hbm>>
    %dma_start3A_279 = arith.constant 0 : i32
    %dma_start3A_280 = arith.constant 0 : i32
    %dma_start3A_281 = tpu.memref_slice %arg6[%dma_start3A_270, %dma_start3A_279, %dma_start3A_280] : memref<4x800x32xf32, #tpu.memory_space<vmem>> -> memref<1x800x32xf32, #tpu.memory_space<vmem>>
    %dma_start3A_282 = tpu.memref_squeeze %dma_start3A_281 : memref<1x800x32xf32, #tpu.memory_space<vmem>> -> memref<800x32xf32, #tpu.memory_space<vmem>>
    tpu.enqueue_dma source(%dma_start3A_282 : memref<800x32xf32, #tpu.memory_space<vmem>>) target(%dma_start3A_278 : memref<800x32xf32, #tpu.memory_space<hbm>>) target_semaphore(%arg12 : memref<!tpu.dma_semaphore, #tpu.memory_space<semaphore_mem>>)
    %dma_wait3A_283 = arith.constant 0 : i32
    %dma_wait3A_284 = arith.constant 0 : i32
    %dma_wait3A_285 = arith.constant 0 : i32
    %dma_wait3A_286 = tpu.memref_slice %arg6[%dma_wait3A_283, %dma_wait3A_284, %dma_wait3A_285] : memref<4x800x32xf32, #tpu.memory_space<vmem>> -> memref<1x800x32xf32, #tpu.memory_space<vmem>>
    %dma_wait3A_287 = tpu.memref_squeeze %dma_wait3A_286 : memref<1x800x32xf32, #tpu.memory_space<vmem>> -> memref<800x32xf32, #tpu.memory_space<vmem>>
    %dma_wait3A_288 = arith.constant 0 : i32
    %dma_wait3A_289 = tpu.memref_slice %arg4[%add3A_221, %dma_wait3A_288] : memref<409600x32xf32, #tpu.memory_space<hbm>> -> memref<800x32xf32, #tpu.memory_space<hbm>>
    %dma_wait3A_290 = arith.constant 0 : i32
    %dma_wait3A_291 = tpu.memref_slice %arg4[%add3A_221, %dma_wait3A_290] : memref<409600x32xf32, #tpu.memory_space<hbm>> -> memref<800x32xf32, #tpu.memory_space<hbm>>
    %dma_wait3A_292 = arith.constant 0 : i32
    %dma_wait3A_293 = arith.constant 0 : i32
    %dma_wait3A_294 = tpu.memref_slice %arg6[%dma_wait3A_283, %dma_wait3A_292, %dma_wait3A_293] : memref<4x800x32xf32, #tpu.memory_space<vmem>> -> memref<1x800x32xf32, #tpu.memory_space<vmem>>
    %dma_wait3A_295 = tpu.memref_squeeze %dma_wait3A_294 : memref<1x800x32xf32, #tpu.memory_space<vmem>> -> memref<800x32xf32, #tpu.memory_space<vmem>>
    tpu.wait_dma2 semaphore(%arg11 : memref<!tpu.dma_semaphore, #tpu.memory_space<semaphore_mem>>) src(%dma_wait3A_295 : memref<800x32xf32, #tpu.memory_space<vmem>>) dst(%dma_wait3A_291 : memref<800x32xf32, #tpu.memory_space<hbm>>)
    %dma_start3A_296 = arith.constant 0 : i32
    %dma_start3A_297 = arith.constant 0 : i32
    %dma_start3A_298 = arith.constant 0 : i32
    %dma_start3A_299 = tpu.memref_slice %arg6[%dma_start3A_296, %dma_start3A_297, %dma_start3A_298] : memref<4x800x32xf32, #tpu.memory_space<vmem>> -> memref<1x800x32xf32, #tpu.memory_space<vmem>>
    %dma_start3A_300 = tpu.memref_squeeze %dma_start3A_299 : memref<1x800x32xf32, #tpu.memory_space<vmem>> -> memref<800x32xf32, #tpu.memory_space<vmem>>
    %dma_start3A_301 = arith.constant 6400 : i32
    %dma_start3A_302 = tpu.memref_slice %arg5[%dma_start3A_301] : memref<12800xi32, #tpu.memory_space<vmem>> -> memref<800xi32, #tpu.memory_space<vmem>>
    %dma_start3A_303 = arith.constant 0 : i32
    %dma_start3A_304 = arith.constant 0 : i32
    %dma_start3A_305 = tpu.memref_slice %arg3[%dma_start3A_303, %dma_start3A_304] : memref<1000000x32xf32, #tpu.memory_space<hbm>> -> memref<1000000x32xf32, #tpu.memory_space<hbm>>
    tpu.enqueue_indirect_dma source(%dma_start3A_305 : memref<1000000x32xf32, #tpu.memory_space<hbm>>) target(%dma_start3A_300 : memref<800x32xf32, #tpu.memory_space<vmem>>) offsets(%dma_start3A_302 : memref<800xi32, #tpu.memory_space<vmem>>) semaphore(%arg7 : memref<!tpu.dma_semaphore, #tpu.memory_space<semaphore_mem>>)
    %dma_wait3A_306 = arith.constant 2 : i32
    %dma_wait3A_307 = arith.constant 0 : i32
    %dma_wait3A_308 = arith.constant 0 : i32
    %dma_wait3A_309 = tpu.memref_slice %arg6[%dma_wait3A_306, %dma_wait3A_307, %dma_wait3A_308] : memref<4x800x32xf32, #tpu.memory_space<vmem>> -> memref<1x800x32xf32, #tpu.memory_space<vmem>>
    %dma_wait3A_310 = tpu.memref_squeeze %dma_wait3A_309 : memref<1x800x32xf32, #tpu.memory_space<vmem>> -> memref<800x32xf32, #tpu.memory_space<vmem>>
    %dma_wait3A_311 = arith.constant 4800 : i32
    %dma_wait3A_312 = tpu.memref_slice %arg5[%dma_wait3A_311] : memref<12800xi32, #tpu.memory_space<vmem>> -> memref<800xi32, #tpu.memory_space<vmem>>
    %dma_wait3A_313 = arith.constant 0 : i32
    %dma_wait3A_314 = arith.constant 0 : i32
    %dma_wait3A_315 = tpu.memref_slice %arg3[%dma_wait3A_313, %dma_wait3A_314] : memref<1000000x32xf32, #tpu.memory_space<hbm>> -> memref<1000000x32xf32, #tpu.memory_space<hbm>>
    tpu.wait_indirect_dma semaphore(%arg9 : memref<!tpu.dma_semaphore, #tpu.memory_space<semaphore_mem>>) src(%dma_wait3A_315 : memref<1000000x32xf32, #tpu.memory_space<hbm>>) dst(%dma_wait3A_310 : memref<800x32xf32, #tpu.memory_space<vmem>>)
    %add3A_316 = arith.constant 4800 : i32
    %add3A_317 = arith.addi %mul3A_2, %add3A_316 : i32
    %dma_start3A_318 = arith.constant 2 : i32
    %dma_start3A_319 = arith.constant 0 : i32
    %dma_start3A_320 = arith.constant 0 : i32
    %dma_start3A_321 = tpu.memref_slice %arg6[%dma_start3A_318, %dma_start3A_319, %dma_start3A_320] : memref<4x800x32xf32, #tpu.memory_space<vmem>> -> memref<1x800x32xf32, #tpu.memory_space<vmem>>
    %dma_start3A_322 = tpu.memref_squeeze %dma_start3A_321 : memref<1x800x32xf32, #tpu.memory_space<vmem>> -> memref<800x32xf32, #tpu.memory_space<vmem>>
    %dma_start3A_323 = arith.constant 0 : i32
    %dma_start3A_324 = tpu.memref_slice %arg4[%add3A_317, %dma_start3A_323] : memref<409600x32xf32, #tpu.memory_space<hbm>> -> memref<800x32xf32, #tpu.memory_space<hbm>>
    %dma_start3A_325 = arith.constant 0 : i32
    %dma_start3A_326 = tpu.memref_slice %arg4[%add3A_317, %dma_start3A_325] : memref<409600x32xf32, #tpu.memory_space<hbm>> -> memref<800x32xf32, #tpu.memory_space<hbm>>
    %dma_start3A_327 = arith.constant 0 : i32
    %dma_start3A_328 = arith.constant 0 : i32
    %dma_start3A_329 = tpu.memref_slice %arg6[%dma_start3A_318, %dma_start3A_327, %dma_start3A_328] : memref<4x800x32xf32, #tpu.memory_space<vmem>> -> memref<1x800x32xf32, #tpu.memory_space<vmem>>
    %dma_start3A_330 = tpu.memref_squeeze %dma_start3A_329 : memref<1x800x32xf32, #tpu.memory_space<vmem>> -> memref<800x32xf32, #tpu.memory_space<vmem>>
    tpu.enqueue_dma source(%dma_start3A_330 : memref<800x32xf32, #tpu.memory_space<vmem>>) target(%dma_start3A_326 : memref<800x32xf32, #tpu.memory_space<hbm>>) target_semaphore(%arg13 : memref<!tpu.dma_semaphore, #tpu.memory_space<semaphore_mem>>)
    %dma_wait3A_331 = arith.constant 1 : i32
    %dma_wait3A_332 = arith.constant 0 : i32
    %dma_wait3A_333 = arith.constant 0 : i32
    %dma_wait3A_334 = tpu.memref_slice %arg6[%dma_wait3A_331, %dma_wait3A_332, %dma_wait3A_333] : memref<4x800x32xf32, #tpu.memory_space<vmem>> -> memref<1x800x32xf32, #tpu.memory_space<vmem>>
    %dma_wait3A_335 = tpu.memref_squeeze %dma_wait3A_334 : memref<1x800x32xf32, #tpu.memory_space<vmem>> -> memref<800x32xf32, #tpu.memory_space<vmem>>
    %dma_wait3A_336 = arith.constant 0 : i32
    %dma_wait3A_337 = tpu.memref_slice %arg4[%add3A_269, %dma_wait3A_336] : memref<409600x32xf32, #tpu.memory_space<hbm>> -> memref<800x32xf32, #tpu.memory_space<hbm>>
    %dma_wait3A_338 = arith.constant 0 : i32
    %dma_wait3A_339 = tpu.memref_slice %arg4[%add3A_269, %dma_wait3A_338] : memref<409600x32xf32, #tpu.memory_space<hbm>> -> memref<800x32xf32, #tpu.memory_space<hbm>>
    %dma_wait3A_340 = arith.constant 0 : i32
    %dma_wait3A_341 = arith.constant 0 : i32
    %dma_wait3A_342 = tpu.memref_slice %arg6[%dma_wait3A_331, %dma_wait3A_340, %dma_wait3A_341] : memref<4x800x32xf32, #tpu.memory_space<vmem>> -> memref<1x800x32xf32, #tpu.memory_space<vmem>>
    %dma_wait3A_343 = tpu.memref_squeeze %dma_wait3A_342 : memref<1x800x32xf32, #tpu.memory_space<vmem>> -> memref<800x32xf32, #tpu.memory_space<vmem>>
    tpu.wait_dma2 semaphore(%arg12 : memref<!tpu.dma_semaphore, #tpu.memory_space<semaphore_mem>>) src(%dma_wait3A_343 : memref<800x32xf32, #tpu.memory_space<vmem>>) dst(%dma_wait3A_339 : memref<800x32xf32, #tpu.memory_space<hbm>>)
    %dma_start3A_344 = arith.constant 1 : i32
    %dma_start3A_345 = arith.constant 0 : i32
    %dma_start3A_346 = arith.constant 0 : i32
    %dma_start3A_347 = tpu.memref_slice %arg6[%dma_start3A_344, %dma_start3A_345, %dma_start3A_346] : memref<4x800x32xf32, #tpu.memory_space<vmem>> -> memref<1x800x32xf32, #tpu.memory_space<vmem>>
    %dma_start3A_348 = tpu.memref_squeeze %dma_start3A_347 : memref<1x800x32xf32, #tpu.memory_space<vmem>> -> memref<800x32xf32, #tpu.memory_space<vmem>>
    %dma_start3A_349 = arith.constant 7200 : i32
    %dma_start3A_350 = tpu.memref_slice %arg5[%dma_start3A_349] : memref<12800xi32, #tpu.memory_space<vmem>> -> memref<800xi32, #tpu.memory_space<vmem>>
    %dma_start3A_351 = arith.constant 0 : i32
    %dma_start3A_352 = arith.constant 0 : i32
    %dma_start3A_353 = tpu.memref_slice %arg3[%dma_start3A_351, %dma_start3A_352] : memref<1000000x32xf32, #tpu.memory_space<hbm>> -> memref<1000000x32xf32, #tpu.memory_space<hbm>>
    tpu.enqueue_indirect_dma source(%dma_start3A_353 : memref<1000000x32xf32, #tpu.memory_space<hbm>>) target(%dma_start3A_348 : memref<800x32xf32, #tpu.memory_space<vmem>>) offsets(%dma_start3A_350 : memref<800xi32, #tpu.memory_space<vmem>>) semaphore(%arg8 : memref<!tpu.dma_semaphore, #tpu.memory_space<semaphore_mem>>)
    %dma_wait3A_354 = arith.constant 3 : i32
    %dma_wait3A_355 = arith.constant 0 : i32
    %dma_wait3A_356 = arith.constant 0 : i32
    %dma_wait3A_357 = tpu.memref_slice %arg6[%dma_wait3A_354, %dma_wait3A_355, %dma_wait3A_356] : memref<4x800x32xf32, #tpu.memory_space<vmem>> -> memref<1x800x32xf32, #tpu.memory_space<vmem>>
    %dma_wait3A_358 = tpu.memref_squeeze %dma_wait3A_357 : memref<1x800x32xf32, #tpu.memory_space<vmem>> -> memref<800x32xf32, #tpu.memory_space<vmem>>
    %dma_wait3A_359 = arith.constant 5600 : i32
    %dma_wait3A_360 = tpu.memref_slice %arg5[%dma_wait3A_359] : memref<12800xi32, #tpu.memory_space<vmem>> -> memref<800xi32, #tpu.memory_space<vmem>>
    %dma_wait3A_361 = arith.constant 0 : i32
    %dma_wait3A_362 = arith.constant 0 : i32
    %dma_wait3A_363 = tpu.memref_slice %arg3[%dma_wait3A_361, %dma_wait3A_362] : memref<1000000x32xf32, #tpu.memory_space<hbm>> -> memref<1000000x32xf32, #tpu.memory_space<hbm>>
    tpu.wait_indirect_dma semaphore(%arg10 : memref<!tpu.dma_semaphore, #tpu.memory_space<semaphore_mem>>) src(%dma_wait3A_363 : memref<1000000x32xf32, #tpu.memory_space<hbm>>) dst(%dma_wait3A_358 : memref<800x32xf32, #tpu.memory_space<vmem>>)
    %add3A_364 = arith.constant 5600 : i32
    %add3A_365 = arith.addi %mul3A_2, %add3A_364 : i32
    %dma_start3A_366 = arith.constant 3 : i32
    %dma_start3A_367 = arith.constant 0 : i32
    %dma_start3A_368 = arith.constant 0 : i32
    %dma_start3A_369 = tpu.memref_slice %arg6[%dma_start3A_366, %dma_start3A_367, %dma_start3A_368] : memref<4x800x32xf32, #tpu.memory_space<vmem>> -> memref<1x800x32xf32, #tpu.memory_space<vmem>>
    %dma_start3A_370 = tpu.memref_squeeze %dma_start3A_369 : memref<1x800x32xf32, #tpu.memory_space<vmem>> -> memref<800x32xf32, #tpu.memory_space<vmem>>
    %dma_start3A_371 = arith.constant 0 : i32
    %dma_start3A_372 = tpu.memref_slice %arg4[%add3A_365, %dma_start3A_371] : memref<409600x32xf32, #tpu.memory_space<hbm>> -> memref<800x32xf32, #tpu.memory_space<hbm>>
    %dma_start3A_373 = arith.constant 0 : i32
    %dma_start3A_374 = tpu.memref_slice %arg4[%add3A_365, %dma_start3A_373] : memref<409600x32xf32, #tpu.memory_space<hbm>> -> memref<800x32xf32, #tpu.memory_space<hbm>>
    %dma_start3A_375 = arith.constant 0 : i32
    %dma_start3A_376 = arith.constant 0 : i32
    %dma_start3A_377 = tpu.memref_slice %arg6[%dma_start3A_366, %dma_start3A_375, %dma_start3A_376] : memref<4x800x32xf32, #tpu.memory_space<vmem>> -> memref<1x800x32xf32, #tpu.memory_space<vmem>>
    %dma_start3A_378 = tpu.memref_squeeze %dma_start3A_377 : memref<1x800x32xf32, #tpu.memory_space<vmem>> -> memref<800x32xf32, #tpu.memory_space<vmem>>
    tpu.enqueue_dma source(%dma_start3A_378 : memref<800x32xf32, #tpu.memory_space<vmem>>) target(%dma_start3A_374 : memref<800x32xf32, #tpu.memory_space<hbm>>) target_semaphore(%arg14 : memref<!tpu.dma_semaphore, #tpu.memory_space<semaphore_mem>>)
    %dma_wait3A_379 = arith.constant 2 : i32
    %dma_wait3A_380 = arith.constant 0 : i32
    %dma_wait3A_381 = arith.constant 0 : i32
    %dma_wait3A_382 = tpu.memref_slice %arg6[%dma_wait3A_379, %dma_wait3A_380, %dma_wait3A_381] : memref<4x800x32xf32, #tpu.memory_space<vmem>> -> memref<1x800x32xf32, #tpu.memory_space<vmem>>
    %dma_wait3A_383 = tpu.memref_squeeze %dma_wait3A_382 : memref<1x800x32xf32, #tpu.memory_space<vmem>> -> memref<800x32xf32, #tpu.memory_space<vmem>>
    %dma_wait3A_384 = arith.constant 0 : i32
    %dma_wait3A_385 = tpu.memref_slice %arg4[%add3A_317, %dma_wait3A_384] : memref<409600x32xf32, #tpu.memory_space<hbm>> -> memref<800x32xf32, #tpu.memory_space<hbm>>
    %dma_wait3A_386 = arith.constant 0 : i32
    %dma_wait3A_387 = tpu.memref_slice %arg4[%add3A_317, %dma_wait3A_386] : memref<409600x32xf32, #tpu.memory_space<hbm>> -> memref<800x32xf32, #tpu.memory_space<hbm>>
    %dma_wait3A_388 = arith.constant 0 : i32
    %dma_wait3A_389 = arith.constant 0 : i32
    %dma_wait3A_390 = tpu.memref_slice %arg6[%dma_wait3A_379, %dma_wait3A_388, %dma_wait3A_389] : memref<4x800x32xf32, #tpu.memory_space<vmem>> -> memref<1x800x32xf32, #tpu.memory_space<vmem>>
    %dma_wait3A_391 = tpu.memref_squeeze %dma_wait3A_390 : memref<1x800x32xf32, #tpu.memory_space<vmem>> -> memref<800x32xf32, #tpu.memory_space<vmem>>
    tpu.wait_dma2 semaphore(%arg13 : memref<!tpu.dma_semaphore, #tpu.memory_space<semaphore_mem>>) src(%dma_wait3A_391 : memref<800x32xf32, #tpu.memory_space<vmem>>) dst(%dma_wait3A_387 : memref<800x32xf32, #tpu.memory_space<hbm>>)
    %dma_start3A_392 = arith.constant 2 : i32
    %dma_start3A_393 = arith.constant 0 : i32
    %dma_start3A_394 = arith.constant 0 : i32
    %dma_start3A_395 = tpu.memref_slice %arg6[%dma_start3A_392, %dma_start3A_393, %dma_start3A_394] : memref<4x800x32xf32, #tpu.memory_space<vmem>> -> memref<1x800x32xf32, #tpu.memory_space<vmem>>
    %dma_start3A_396 = tpu.memref_squeeze %dma_start3A_395 : memref<1x800x32xf32, #tpu.memory_space<vmem>> -> memref<800x32xf32, #tpu.memory_space<vmem>>
    %dma_start3A_397 = arith.constant 8000 : i32
    %dma_start3A_398 = tpu.memref_slice %arg5[%dma_start3A_397] : memref<12800xi32, #tpu.memory_space<vmem>> -> memref<800xi32, #tpu.memory_space<vmem>>
    %dma_start3A_399 = arith.constant 0 : i32
    %dma_start3A_400 = arith.constant 0 : i32
    %dma_start3A_401 = tpu.memref_slice %arg3[%dma_start3A_399, %dma_start3A_400] : memref<1000000x32xf32, #tpu.memory_space<hbm>> -> memref<1000000x32xf32, #tpu.memory_space<hbm>>
    tpu.enqueue_indirect_dma source(%dma_start3A_401 : memref<1000000x32xf32, #tpu.memory_space<hbm>>) target(%dma_start3A_396 : memref<800x32xf32, #tpu.memory_space<vmem>>) offsets(%dma_start3A_398 : memref<800xi32, #tpu.memory_space<vmem>>) semaphore(%arg9 : memref<!tpu.dma_semaphore, #tpu.memory_space<semaphore_mem>>)
    %dma_wait3A_402 = arith.constant 0 : i32
    %dma_wait3A_403 = arith.constant 0 : i32
    %dma_wait3A_404 = arith.constant 0 : i32
    %dma_wait3A_405 = tpu.memref_slice %arg6[%dma_wait3A_402, %dma_wait3A_403, %dma_wait3A_404] : memref<4x800x32xf32, #tpu.memory_space<vmem>> -> memref<1x800x32xf32, #tpu.memory_space<vmem>>
    %dma_wait3A_406 = tpu.memref_squeeze %dma_wait3A_405 : memref<1x800x32xf32, #tpu.memory_space<vmem>> -> memref<800x32xf32, #tpu.memory_space<vmem>>
    %dma_wait3A_407 = arith.constant 6400 : i32
    %dma_wait3A_408 = tpu.memref_slice %arg5[%dma_wait3A_407] : memref<12800xi32, #tpu.memory_space<vmem>> -> memref<800xi32, #tpu.memory_space<vmem>>
    %dma_wait3A_409 = arith.constant 0 : i32
    %dma_wait3A_410 = arith.constant 0 : i32
    %dma_wait3A_411 = tpu.memref_slice %arg3[%dma_wait3A_409, %dma_wait3A_410] : memref<1000000x32xf32, #tpu.memory_space<hbm>> -> memref<1000000x32xf32, #tpu.memory_space<hbm>>
    tpu.wait_indirect_dma semaphore(%arg7 : memref<!tpu.dma_semaphore, #tpu.memory_space<semaphore_mem>>) src(%dma_wait3A_411 : memref<1000000x32xf32, #tpu.memory_space<hbm>>) dst(%dma_wait3A_406 : memref<800x32xf32, #tpu.memory_space<vmem>>)
    %add3A_412 = arith.constant 6400 : i32
    %add3A_413 = arith.addi %mul3A_2, %add3A_412 : i32
    %dma_start3A_414 = arith.constant 0 : i32
    %dma_start3A_415 = arith.constant 0 : i32
    %dma_start3A_416 = arith.constant 0 : i32
    %dma_start3A_417 = tpu.memref_slice %arg6[%dma_start3A_414, %dma_start3A_415, %dma_start3A_416] : memref<4x800x32xf32, #tpu.memory_space<vmem>> -> memref<1x800x32xf32, #tpu.memory_space<vmem>>
    %dma_start3A_418 = tpu.memref_squeeze %dma_start3A_417 : memref<1x800x32xf32, #tpu.memory_space<vmem>> -> memref<800x32xf32, #tpu.memory_space<vmem>>
    %dma_start3A_419 = arith.constant 0 : i32
    %dma_start3A_420 = tpu.memref_slice %arg4[%add3A_413, %dma_start3A_419] : memref<409600x32xf32, #tpu.memory_space<hbm>> -> memref<800x32xf32, #tpu.memory_space<hbm>>
    %dma_start3A_421 = arith.constant 0 : i32
    %dma_start3A_422 = tpu.memref_slice %arg4[%add3A_413, %dma_start3A_421] : memref<409600x32xf32, #tpu.memory_space<hbm>> -> memref<800x32xf32, #tpu.memory_space<hbm>>
    %dma_start3A_423 = arith.constant 0 : i32
    %dma_start3A_424 = arith.constant 0 : i32
    %dma_start3A_425 = tpu.memref_slice %arg6[%dma_start3A_414, %dma_start3A_423, %dma_start3A_424] : memref<4x800x32xf32, #tpu.memory_space<vmem>> -> memref<1x800x32xf32, #tpu.memory_space<vmem>>
    %dma_start3A_426 = tpu.memref_squeeze %dma_start3A_425 : memref<1x800x32xf32, #tpu.memory_space<vmem>> -> memref<800x32xf32, #tpu.memory_space<vmem>>
    tpu.enqueue_dma source(%dma_start3A_426 : memref<800x32xf32, #tpu.memory_space<vmem>>) target(%dma_start3A_422 : memref<800x32xf32, #tpu.memory_space<hbm>>) target_semaphore(%arg11 : memref<!tpu.dma_semaphore, #tpu.memory_space<semaphore_mem>>)
    %dma_wait3A_427 = arith.constant 3 : i32
    %dma_wait3A_428 = arith.constant 0 : i32
    %dma_wait3A_429 = arith.constant 0 : i32
    %dma_wait3A_430 = tpu.memref_slice %arg6[%dma_wait3A_427, %dma_wait3A_428, %dma_wait3A_429] : memref<4x800x32xf32, #tpu.memory_space<vmem>> -> memref<1x800x32xf32, #tpu.memory_space<vmem>>
    %dma_wait3A_431 = tpu.memref_squeeze %dma_wait3A_430 : memref<1x800x32xf32, #tpu.memory_space<vmem>> -> memref<800x32xf32, #tpu.memory_space<vmem>>
    %dma_wait3A_432 = arith.constant 0 : i32
    %dma_wait3A_433 = tpu.memref_slice %arg4[%add3A_365, %dma_wait3A_432] : memref<409600x32xf32, #tpu.memory_space<hbm>> -> memref<800x32xf32, #tpu.memory_space<hbm>>
    %dma_wait3A_434 = arith.constant 0 : i32
    %dma_wait3A_435 = tpu.memref_slice %arg4[%add3A_365, %dma_wait3A_434] : memref<409600x32xf32, #tpu.memory_space<hbm>> -> memref<800x32xf32, #tpu.memory_space<hbm>>
    %dma_wait3A_436 = arith.constant 0 : i32
    %dma_wait3A_437 = arith.constant 0 : i32
    %dma_wait3A_438 = tpu.memref_slice %arg6[%dma_wait3A_427, %dma_wait3A_436, %dma_wait3A_437] : memref<4x800x32xf32, #tpu.memory_space<vmem>> -> memref<1x800x32xf32, #tpu.memory_space<vmem>>
    %dma_wait3A_439 = tpu.memref_squeeze %dma_wait3A_438 : memref<1x800x32xf32, #tpu.memory_space<vmem>> -> memref<800x32xf32, #tpu.memory_space<vmem>>
    tpu.wait_dma2 semaphore(%arg14 : memref<!tpu.dma_semaphore, #tpu.memory_space<semaphore_mem>>) src(%dma_wait3A_439 : memref<800x32xf32, #tpu.memory_space<vmem>>) dst(%dma_wait3A_435 : memref<800x32xf32, #tpu.memory_space<hbm>>)
    %dma_start3A_440 = arith.constant 3 : i32
    %dma_start3A_441 = arith.constant 0 : i32
    %dma_start3A_442 = arith.constant 0 : i32
    %dma_start3A_443 = tpu.memref_slice %arg6[%dma_start3A_440, %dma_start3A_441, %dma_start3A_442] : memref<4x800x32xf32, #tpu.memory_space<vmem>> -> memref<1x800x32xf32, #tpu.memory_space<vmem>>
    %dma_start3A_444 = tpu.memref_squeeze %dma_start3A_443 : memref<1x800x32xf32, #tpu.memory_space<vmem>> -> memref<800x32xf32, #tpu.memory_space<vmem>>
    %dma_start3A_445 = arith.constant 8800 : i32
    %dma_start3A_446 = tpu.memref_slice %arg5[%dma_start3A_445] : memref<12800xi32, #tpu.memory_space<vmem>> -> memref<800xi32, #tpu.memory_space<vmem>>
    %dma_start3A_447 = arith.constant 0 : i32
    %dma_start3A_448 = arith.constant 0 : i32
    %dma_start3A_449 = tpu.memref_slice %arg3[%dma_start3A_447, %dma_start3A_448] : memref<1000000x32xf32, #tpu.memory_space<hbm>> -> memref<1000000x32xf32, #tpu.memory_space<hbm>>
    tpu.enqueue_indirect_dma source(%dma_start3A_449 : memref<1000000x32xf32, #tpu.memory_space<hbm>>) target(%dma_start3A_444 : memref<800x32xf32, #tpu.memory_space<vmem>>) offsets(%dma_start3A_446 : memref<800xi32, #tpu.memory_space<vmem>>) semaphore(%arg10 : memref<!tpu.dma_semaphore, #tpu.memory_space<semaphore_mem>>)
    %dma_wait3A_450 = arith.constant 1 : i32
    %dma_wait3A_451 = arith.constant 0 : i32
    %dma_wait3A_452 = arith.constant 0 : i32
    %dma_wait3A_453 = tpu.memref_slice %arg6[%dma_wait3A_450, %dma_wait3A_451, %dma_wait3A_452] : memref<4x800x32xf32, #tpu.memory_space<vmem>> -> memref<1x800x32xf32, #tpu.memory_space<vmem>>
    %dma_wait3A_454 = tpu.memref_squeeze %dma_wait3A_453 : memref<1x800x32xf32, #tpu.memory_space<vmem>> -> memref<800x32xf32, #tpu.memory_space<vmem>>
    %dma_wait3A_455 = arith.constant 7200 : i32
    %dma_wait3A_456 = tpu.memref_slice %arg5[%dma_wait3A_455] : memref<12800xi32, #tpu.memory_space<vmem>> -> memref<800xi32, #tpu.memory_space<vmem>>
    %dma_wait3A_457 = arith.constant 0 : i32
    %dma_wait3A_458 = arith.constant 0 : i32
    %dma_wait3A_459 = tpu.memref_slice %arg3[%dma_wait3A_457, %dma_wait3A_458] : memref<1000000x32xf32, #tpu.memory_space<hbm>> -> memref<1000000x32xf32, #tpu.memory_space<hbm>>
    tpu.wait_indirect_dma semaphore(%arg8 : memref<!tpu.dma_semaphore, #tpu.memory_space<semaphore_mem>>) src(%dma_wait3A_459 : memref<1000000x32xf32, #tpu.memory_space<hbm>>) dst(%dma_wait3A_454 : memref<800x32xf32, #tpu.memory_space<vmem>>)
    %add3A_460 = arith.constant 7200 : i32
    %add3A_461 = arith.addi %mul3A_2, %add3A_460 : i32
    %dma_start3A_462 = arith.constant 1 : i32
    %dma_start3A_463 = arith.constant 0 : i32
    %dma_start3A_464 = arith.constant 0 : i32
    %dma_start3A_465 = tpu.memref_slice %arg6[%dma_start3A_462, %dma_start3A_463, %dma_start3A_464] : memref<4x800x32xf32, #tpu.memory_space<vmem>> -> memref<1x800x32xf32, #tpu.memory_space<vmem>>
    %dma_start3A_466 = tpu.memref_squeeze %dma_start3A_465 : memref<1x800x32xf32, #tpu.memory_space<vmem>> -> memref<800x32xf32, #tpu.memory_space<vmem>>
    %dma_start3A_467 = arith.constant 0 : i32
    %dma_start3A_468 = tpu.memref_slice %arg4[%add3A_461, %dma_start3A_467] : memref<409600x32xf32, #tpu.memory_space<hbm>> -> memref<800x32xf32, #tpu.memory_space<hbm>>
    %dma_start3A_469 = arith.constant 0 : i32
    %dma_start3A_470 = tpu.memref_slice %arg4[%add3A_461, %dma_start3A_469] : memref<409600x32xf32, #tpu.memory_space<hbm>> -> memref<800x32xf32, #tpu.memory_space<hbm>>
    %dma_start3A_471 = arith.constant 0 : i32
    %dma_start3A_472 = arith.constant 0 : i32
    %dma_start3A_473 = tpu.memref_slice %arg6[%dma_start3A_462, %dma_start3A_471, %dma_start3A_472] : memref<4x800x32xf32, #tpu.memory_space<vmem>> -> memref<1x800x32xf32, #tpu.memory_space<vmem>>
    %dma_start3A_474 = tpu.memref_squeeze %dma_start3A_473 : memref<1x800x32xf32, #tpu.memory_space<vmem>> -> memref<800x32xf32, #tpu.memory_space<vmem>>
    tpu.enqueue_dma source(%dma_start3A_474 : memref<800x32xf32, #tpu.memory_space<vmem>>) target(%dma_start3A_470 : memref<800x32xf32, #tpu.memory_space<hbm>>) target_semaphore(%arg12 : memref<!tpu.dma_semaphore, #tpu.memory_space<semaphore_mem>>)
    %dma_wait3A_475 = arith.constant 0 : i32
    %dma_wait3A_476 = arith.constant 0 : i32
    %dma_wait3A_477 = arith.constant 0 : i32
    %dma_wait3A_478 = tpu.memref_slice %arg6[%dma_wait3A_475, %dma_wait3A_476, %dma_wait3A_477] : memref<4x800x32xf32, #tpu.memory_space<vmem>> -> memref<1x800x32xf32, #tpu.memory_space<vmem>>
    %dma_wait3A_479 = tpu.memref_squeeze %dma_wait3A_478 : memref<1x800x32xf32, #tpu.memory_space<vmem>> -> memref<800x32xf32, #tpu.memory_space<vmem>>
    %dma_wait3A_480 = arith.constant 0 : i32
    %dma_wait3A_481 = tpu.memref_slice %arg4[%add3A_413, %dma_wait3A_480] : memref<409600x32xf32, #tpu.memory_space<hbm>> -> memref<800x32xf32, #tpu.memory_space<hbm>>
    %dma_wait3A_482 = arith.constant 0 : i32
    %dma_wait3A_483 = tpu.memref_slice %arg4[%add3A_413, %dma_wait3A_482] : memref<409600x32xf32, #tpu.memory_space<hbm>> -> memref<800x32xf32, #tpu.memory_space<hbm>>
    %dma_wait3A_484 = arith.constant 0 : i32
    %dma_wait3A_485 = arith.constant 0 : i32
    %dma_wait3A_486 = tpu.memref_slice %arg6[%dma_wait3A_475, %dma_wait3A_484, %dma_wait3A_485] : memref<4x800x32xf32, #tpu.memory_space<vmem>> -> memref<1x800x32xf32, #tpu.memory_space<vmem>>
    %dma_wait3A_487 = tpu.memref_squeeze %dma_wait3A_486 : memref<1x800x32xf32, #tpu.memory_space<vmem>> -> memref<800x32xf32, #tpu.memory_space<vmem>>
    tpu.wait_dma2 semaphore(%arg11 : memref<!tpu.dma_semaphore, #tpu.memory_space<semaphore_mem>>) src(%dma_wait3A_487 : memref<800x32xf32, #tpu.memory_space<vmem>>) dst(%dma_wait3A_483 : memref<800x32xf32, #tpu.memory_space<hbm>>)
    %dma_start3A_488 = arith.constant 0 : i32
    %dma_start3A_489 = arith.constant 0 : i32
    %dma_start3A_490 = arith.constant 0 : i32
    %dma_start3A_491 = tpu.memref_slice %arg6[%dma_start3A_488, %dma_start3A_489, %dma_start3A_490] : memref<4x800x32xf32, #tpu.memory_space<vmem>> -> memref<1x800x32xf32, #tpu.memory_space<vmem>>
    %dma_start3A_492 = tpu.memref_squeeze %dma_start3A_491 : memref<1x800x32xf32, #tpu.memory_space<vmem>> -> memref<800x32xf32, #tpu.memory_space<vmem>>
    %dma_start3A_493 = arith.constant 9600 : i32
    %dma_start3A_494 = tpu.memref_slice %arg5[%dma_start3A_493] : memref<12800xi32, #tpu.memory_space<vmem>> -> memref<800xi32, #tpu.memory_space<vmem>>
    %dma_start3A_495 = arith.constant 0 : i32
    %dma_start3A_496 = arith.constant 0 : i32
    %dma_start3A_497 = tpu.memref_slice %arg3[%dma_start3A_495, %dma_start3A_496] : memref<1000000x32xf32, #tpu.memory_space<hbm>> -> memref<1000000x32xf32, #tpu.memory_space<hbm>>
    tpu.enqueue_indirect_dma source(%dma_start3A_497 : memref<1000000x32xf32, #tpu.memory_space<hbm>>) target(%dma_start3A_492 : memref<800x32xf32, #tpu.memory_space<vmem>>) offsets(%dma_start3A_494 : memref<800xi32, #tpu.memory_space<vmem>>) semaphore(%arg7 : memref<!tpu.dma_semaphore, #tpu.memory_space<semaphore_mem>>)
    %dma_wait3A_498 = arith.constant 2 : i32
    %dma_wait3A_499 = arith.constant 0 : i32
    %dma_wait3A_500 = arith.constant 0 : i32
    %dma_wait3A_501 = tpu.memref_slice %arg6[%dma_wait3A_498, %dma_wait3A_499, %dma_wait3A_500] : memref<4x800x32xf32, #tpu.memory_space<vmem>> -> memref<1x800x32xf32, #tpu.memory_space<vmem>>
    %dma_wait3A_502 = tpu.memref_squeeze %dma_wait3A_501 : memref<1x800x32xf32, #tpu.memory_space<vmem>> -> memref<800x32xf32, #tpu.memory_space<vmem>>
    %dma_wait3A_503 = arith.constant 8000 : i32
    %dma_wait3A_504 = tpu.memref_slice %arg5[%dma_wait3A_503] : memref<12800xi32, #tpu.memory_space<vmem>> -> memref<800xi32, #tpu.memory_space<vmem>>
    %dma_wait3A_505 = arith.constant 0 : i32
    %dma_wait3A_506 = arith.constant 0 : i32
    %dma_wait3A_507 = tpu.memref_slice %arg3[%dma_wait3A_505, %dma_wait3A_506] : memref<1000000x32xf32, #tpu.memory_space<hbm>> -> memref<1000000x32xf32, #tpu.memory_space<hbm>>
    tpu.wait_indirect_dma semaphore(%arg9 : memref<!tpu.dma_semaphore, #tpu.memory_space<semaphore_mem>>) src(%dma_wait3A_507 : memref<1000000x32xf32, #tpu.memory_space<hbm>>) dst(%dma_wait3A_502 : memref<800x32xf32, #tpu.memory_space<vmem>>)
    %add3A_508 = arith.constant 8000 : i32
    %add3A_509 = arith.addi %mul3A_2, %add3A_508 : i32
    %dma_start3A_510 = arith.constant 2 : i32
    %dma_start3A_511 = arith.constant 0 : i32
    %dma_start3A_512 = arith.constant 0 : i32
    %dma_start3A_513 = tpu.memref_slice %arg6[%dma_start3A_510, %dma_start3A_511, %dma_start3A_512] : memref<4x800x32xf32, #tpu.memory_space<vmem>> -> memref<1x800x32xf32, #tpu.memory_space<vmem>>
    %dma_start3A_514 = tpu.memref_squeeze %dma_start3A_513 : memref<1x800x32xf32, #tpu.memory_space<vmem>> -> memref<800x32xf32, #tpu.memory_space<vmem>>
    %dma_start3A_515 = arith.constant 0 : i32
    %dma_start3A_516 = tpu.memref_slice %arg4[%add3A_509, %dma_start3A_515] : memref<409600x32xf32, #tpu.memory_space<hbm>> -> memref<800x32xf32, #tpu.memory_space<hbm>>
    %dma_start3A_517 = arith.constant 0 : i32
    %dma_start3A_518 = tpu.memref_slice %arg4[%add3A_509, %dma_start3A_517] : memref<409600x32xf32, #tpu.memory_space<hbm>> -> memref<800x32xf32, #tpu.memory_space<hbm>>
    %dma_start3A_519 = arith.constant 0 : i32
    %dma_start3A_520 = arith.constant 0 : i32
    %dma_start3A_521 = tpu.memref_slice %arg6[%dma_start3A_510, %dma_start3A_519, %dma_start3A_520] : memref<4x800x32xf32, #tpu.memory_space<vmem>> -> memref<1x800x32xf32, #tpu.memory_space<vmem>>
    %dma_start3A_522 = tpu.memref_squeeze %dma_start3A_521 : memref<1x800x32xf32, #tpu.memory_space<vmem>> -> memref<800x32xf32, #tpu.memory_space<vmem>>
    tpu.enqueue_dma source(%dma_start3A_522 : memref<800x32xf32, #tpu.memory_space<vmem>>) target(%dma_start3A_518 : memref<800x32xf32, #tpu.memory_space<hbm>>) target_semaphore(%arg13 : memref<!tpu.dma_semaphore, #tpu.memory_space<semaphore_mem>>)
    %dma_wait3A_523 = arith.constant 1 : i32
    %dma_wait3A_524 = arith.constant 0 : i32
    %dma_wait3A_525 = arith.constant 0 : i32
    %dma_wait3A_526 = tpu.memref_slice %arg6[%dma_wait3A_523, %dma_wait3A_524, %dma_wait3A_525] : memref<4x800x32xf32, #tpu.memory_space<vmem>> -> memref<1x800x32xf32, #tpu.memory_space<vmem>>
    %dma_wait3A_527 = tpu.memref_squeeze %dma_wait3A_526 : memref<1x800x32xf32, #tpu.memory_space<vmem>> -> memref<800x32xf32, #tpu.memory_space<vmem>>
    %dma_wait3A_528 = arith.constant 0 : i32
    %dma_wait3A_529 = tpu.memref_slice %arg4[%add3A_461, %dma_wait3A_528] : memref<409600x32xf32, #tpu.memory_space<hbm>> -> memref<800x32xf32, #tpu.memory_space<hbm>>
    %dma_wait3A_530 = arith.constant 0 : i32
    %dma_wait3A_531 = tpu.memref_slice %arg4[%add3A_461, %dma_wait3A_530] : memref<409600x32xf32, #tpu.memory_space<hbm>> -> memref<800x32xf32, #tpu.memory_space<hbm>>
    %dma_wait3A_532 = arith.constant 0 : i32
    %dma_wait3A_533 = arith.constant 0 : i32
    %dma_wait3A_534 = tpu.memref_slice %arg6[%dma_wait3A_523, %dma_wait3A_532, %dma_wait3A_533] : memref<4x800x32xf32, #tpu.memory_space<vmem>> -> memref<1x800x32xf32, #tpu.memory_space<vmem>>
    %dma_wait3A_535 = tpu.memref_squeeze %dma_wait3A_534 : memref<1x800x32xf32, #tpu.memory_space<vmem>> -> memref<800x32xf32, #tpu.memory_space<vmem>>
    tpu.wait_dma2 semaphore(%arg12 : memref<!tpu.dma_semaphore, #tpu.memory_space<semaphore_mem>>) src(%dma_wait3A_535 : memref<800x32xf32, #tpu.memory_space<vmem>>) dst(%dma_wait3A_531 : memref<800x32xf32, #tpu.memory_space<hbm>>)
    %dma_start3A_536 = arith.constant 1 : i32
    %dma_start3A_537 = arith.constant 0 : i32
    %dma_start3A_538 = arith.constant 0 : i32
    %dma_start3A_539 = tpu.memref_slice %arg6[%dma_start3A_536, %dma_start3A_537, %dma_start3A_538] : memref<4x800x32xf32, #tpu.memory_space<vmem>> -> memref<1x800x32xf32, #tpu.memory_space<vmem>>
    %dma_start3A_540 = tpu.memref_squeeze %dma_start3A_539 : memref<1x800x32xf32, #tpu.memory_space<vmem>> -> memref<800x32xf32, #tpu.memory_space<vmem>>
    %dma_start3A_541 = arith.constant 10400 : i32
    %dma_start3A_542 = tpu.memref_slice %arg5[%dma_start3A_541] : memref<12800xi32, #tpu.memory_space<vmem>> -> memref<800xi32, #tpu.memory_space<vmem>>
    %dma_start3A_543 = arith.constant 0 : i32
    %dma_start3A_544 = arith.constant 0 : i32
    %dma_start3A_545 = tpu.memref_slice %arg3[%dma_start3A_543, %dma_start3A_544] : memref<1000000x32xf32, #tpu.memory_space<hbm>> -> memref<1000000x32xf32, #tpu.memory_space<hbm>>
    tpu.enqueue_indirect_dma source(%dma_start3A_545 : memref<1000000x32xf32, #tpu.memory_space<hbm>>) target(%dma_start3A_540 : memref<800x32xf32, #tpu.memory_space<vmem>>) offsets(%dma_start3A_542 : memref<800xi32, #tpu.memory_space<vmem>>) semaphore(%arg8 : memref<!tpu.dma_semaphore, #tpu.memory_space<semaphore_mem>>)
    %dma_wait3A_546 = arith.constant 3 : i32
    %dma_wait3A_547 = arith.constant 0 : i32
    %dma_wait3A_548 = arith.constant 0 : i32
    %dma_wait3A_549 = tpu.memref_slice %arg6[%dma_wait3A_546, %dma_wait3A_547, %dma_wait3A_548] : memref<4x800x32xf32, #tpu.memory_space<vmem>> -> memref<1x800x32xf32, #tpu.memory_space<vmem>>
    %dma_wait3A_550 = tpu.memref_squeeze %dma_wait3A_549 : memref<1x800x32xf32, #tpu.memory_space<vmem>> -> memref<800x32xf32, #tpu.memory_space<vmem>>
    %dma_wait3A_551 = arith.constant 8800 : i32
    %dma_wait3A_552 = tpu.memref_slice %arg5[%dma_wait3A_551] : memref<12800xi32, #tpu.memory_space<vmem>> -> memref<800xi32, #tpu.memory_space<vmem>>
    %dma_wait3A_553 = arith.constant 0 : i32
    %dma_wait3A_554 = arith.constant 0 : i32
    %dma_wait3A_555 = tpu.memref_slice %arg3[%dma_wait3A_553, %dma_wait3A_554] : memref<1000000x32xf32, #tpu.memory_space<hbm>> -> memref<1000000x32xf32, #tpu.memory_space<hbm>>
    tpu.wait_indirect_dma semaphore(%arg10 : memref<!tpu.dma_semaphore, #tpu.memory_space<semaphore_mem>>) src(%dma_wait3A_555 : memref<1000000x32xf32, #tpu.memory_space<hbm>>) dst(%dma_wait3A_550 : memref<800x32xf32, #tpu.memory_space<vmem>>)
    %add3A_556 = arith.constant 8800 : i32
    %add3A_557 = arith.addi %mul3A_2, %add3A_556 : i32
    %dma_start3A_558 = arith.constant 3 : i32
    %dma_start3A_559 = arith.constant 0 : i32
    %dma_start3A_560 = arith.constant 0 : i32
    %dma_start3A_561 = tpu.memref_slice %arg6[%dma_start3A_558, %dma_start3A_559, %dma_start3A_560] : memref<4x800x32xf32, #tpu.memory_space<vmem>> -> memref<1x800x32xf32, #tpu.memory_space<vmem>>
    %dma_start3A_562 = tpu.memref_squeeze %dma_start3A_561 : memref<1x800x32xf32, #tpu.memory_space<vmem>> -> memref<800x32xf32, #tpu.memory_space<vmem>>
    %dma_start3A_563 = arith.constant 0 : i32
    %dma_start3A_564 = tpu.memref_slice %arg4[%add3A_557, %dma_start3A_563] : memref<409600x32xf32, #tpu.memory_space<hbm>> -> memref<800x32xf32, #tpu.memory_space<hbm>>
    %dma_start3A_565 = arith.constant 0 : i32
    %dma_start3A_566 = tpu.memref_slice %arg4[%add3A_557, %dma_start3A_565] : memref<409600x32xf32, #tpu.memory_space<hbm>> -> memref<800x32xf32, #tpu.memory_space<hbm>>
    %dma_start3A_567 = arith.constant 0 : i32
    %dma_start3A_568 = arith.constant 0 : i32
    %dma_start3A_569 = tpu.memref_slice %arg6[%dma_start3A_558, %dma_start3A_567, %dma_start3A_568] : memref<4x800x32xf32, #tpu.memory_space<vmem>> -> memref<1x800x32xf32, #tpu.memory_space<vmem>>
    %dma_start3A_570 = tpu.memref_squeeze %dma_start3A_569 : memref<1x800x32xf32, #tpu.memory_space<vmem>> -> memref<800x32xf32, #tpu.memory_space<vmem>>
    tpu.enqueue_dma source(%dma_start3A_570 : memref<800x32xf32, #tpu.memory_space<vmem>>) target(%dma_start3A_566 : memref<800x32xf32, #tpu.memory_space<hbm>>) target_semaphore(%arg14 : memref<!tpu.dma_semaphore, #tpu.memory_space<semaphore_mem>>)
    %dma_wait3A_571 = arith.constant 2 : i32
    %dma_wait3A_572 = arith.constant 0 : i32
    %dma_wait3A_573 = arith.constant 0 : i32
    %dma_wait3A_574 = tpu.memref_slice %arg6[%dma_wait3A_571, %dma_wait3A_572, %dma_wait3A_573] : memref<4x800x32xf32, #tpu.memory_space<vmem>> -> memref<1x800x32xf32, #tpu.memory_space<vmem>>
    %dma_wait3A_575 = tpu.memref_squeeze %dma_wait3A_574 : memref<1x800x32xf32, #tpu.memory_space<vmem>> -> memref<800x32xf32, #tpu.memory_space<vmem>>
    %dma_wait3A_576 = arith.constant 0 : i32
    %dma_wait3A_577 = tpu.memref_slice %arg4[%add3A_509, %dma_wait3A_576] : memref<409600x32xf32, #tpu.memory_space<hbm>> -> memref<800x32xf32, #tpu.memory_space<hbm>>
    %dma_wait3A_578 = arith.constant 0 : i32
    %dma_wait3A_579 = tpu.memref_slice %arg4[%add3A_509, %dma_wait3A_578] : memref<409600x32xf32, #tpu.memory_space<hbm>> -> memref<800x32xf32, #tpu.memory_space<hbm>>
    %dma_wait3A_580 = arith.constant 0 : i32
    %dma_wait3A_581 = arith.constant 0 : i32
    %dma_wait3A_582 = tpu.memref_slice %arg6[%dma_wait3A_571, %dma_wait3A_580, %dma_wait3A_581] : memref<4x800x32xf32, #tpu.memory_space<vmem>> -> memref<1x800x32xf32, #tpu.memory_space<vmem>>
    %dma_wait3A_583 = tpu.memref_squeeze %dma_wait3A_582 : memref<1x800x32xf32, #tpu.memory_space<vmem>> -> memref<800x32xf32, #tpu.memory_space<vmem>>
    tpu.wait_dma2 semaphore(%arg13 : memref<!tpu.dma_semaphore, #tpu.memory_space<semaphore_mem>>) src(%dma_wait3A_583 : memref<800x32xf32, #tpu.memory_space<vmem>>) dst(%dma_wait3A_579 : memref<800x32xf32, #tpu.memory_space<hbm>>)
    %dma_start3A_584 = arith.constant 2 : i32
    %dma_start3A_585 = arith.constant 0 : i32
    %dma_start3A_586 = arith.constant 0 : i32
    %dma_start3A_587 = tpu.memref_slice %arg6[%dma_start3A_584, %dma_start3A_585, %dma_start3A_586] : memref<4x800x32xf32, #tpu.memory_space<vmem>> -> memref<1x800x32xf32, #tpu.memory_space<vmem>>
    %dma_start3A_588 = tpu.memref_squeeze %dma_start3A_587 : memref<1x800x32xf32, #tpu.memory_space<vmem>> -> memref<800x32xf32, #tpu.memory_space<vmem>>
    %dma_start3A_589 = arith.constant 11200 : i32
    %dma_start3A_590 = tpu.memref_slice %arg5[%dma_start3A_589] : memref<12800xi32, #tpu.memory_space<vmem>> -> memref<800xi32, #tpu.memory_space<vmem>>
    %dma_start3A_591 = arith.constant 0 : i32
    %dma_start3A_592 = arith.constant 0 : i32
    %dma_start3A_593 = tpu.memref_slice %arg3[%dma_start3A_591, %dma_start3A_592] : memref<1000000x32xf32, #tpu.memory_space<hbm>> -> memref<1000000x32xf32, #tpu.memory_space<hbm>>
    tpu.enqueue_indirect_dma source(%dma_start3A_593 : memref<1000000x32xf32, #tpu.memory_space<hbm>>) target(%dma_start3A_588 : memref<800x32xf32, #tpu.memory_space<vmem>>) offsets(%dma_start3A_590 : memref<800xi32, #tpu.memory_space<vmem>>) semaphore(%arg9 : memref<!tpu.dma_semaphore, #tpu.memory_space<semaphore_mem>>)
    %dma_wait3A_594 = arith.constant 0 : i32
    %dma_wait3A_595 = arith.constant 0 : i32
    %dma_wait3A_596 = arith.constant 0 : i32
    %dma_wait3A_597 = tpu.memref_slice %arg6[%dma_wait3A_594, %dma_wait3A_595, %dma_wait3A_596] : memref<4x800x32xf32, #tpu.memory_space<vmem>> -> memref<1x800x32xf32, #tpu.memory_space<vmem>>
    %dma_wait3A_598 = tpu.memref_squeeze %dma_wait3A_597 : memref<1x800x32xf32, #tpu.memory_space<vmem>> -> memref<800x32xf32, #tpu.memory_space<vmem>>
    %dma_wait3A_599 = arith.constant 9600 : i32
    %dma_wait3A_600 = tpu.memref_slice %arg5[%dma_wait3A_599] : memref<12800xi32, #tpu.memory_space<vmem>> -> memref<800xi32, #tpu.memory_space<vmem>>
    %dma_wait3A_601 = arith.constant 0 : i32
    %dma_wait3A_602 = arith.constant 0 : i32
    %dma_wait3A_603 = tpu.memref_slice %arg3[%dma_wait3A_601, %dma_wait3A_602] : memref<1000000x32xf32, #tpu.memory_space<hbm>> -> memref<1000000x32xf32, #tpu.memory_space<hbm>>
    tpu.wait_indirect_dma semaphore(%arg7 : memref<!tpu.dma_semaphore, #tpu.memory_space<semaphore_mem>>) src(%dma_wait3A_603 : memref<1000000x32xf32, #tpu.memory_space<hbm>>) dst(%dma_wait3A_598 : memref<800x32xf32, #tpu.memory_space<vmem>>)
    %add3A_604 = arith.constant 9600 : i32
    %add3A_605 = arith.addi %mul3A_2, %add3A_604 : i32
    %dma_start3A_606 = arith.constant 0 : i32
    %dma_start3A_607 = arith.constant 0 : i32
    %dma_start3A_608 = arith.constant 0 : i32
    %dma_start3A_609 = tpu.memref_slice %arg6[%dma_start3A_606, %dma_start3A_607, %dma_start3A_608] : memref<4x800x32xf32, #tpu.memory_space<vmem>> -> memref<1x800x32xf32, #tpu.memory_space<vmem>>
    %dma_start3A_610 = tpu.memref_squeeze %dma_start3A_609 : memref<1x800x32xf32, #tpu.memory_space<vmem>> -> memref<800x32xf32, #tpu.memory_space<vmem>>
    %dma_start3A_611 = arith.constant 0 : i32
    %dma_start3A_612 = tpu.memref_slice %arg4[%add3A_605, %dma_start3A_611] : memref<409600x32xf32, #tpu.memory_space<hbm>> -> memref<800x32xf32, #tpu.memory_space<hbm>>
    %dma_start3A_613 = arith.constant 0 : i32
    %dma_start3A_614 = tpu.memref_slice %arg4[%add3A_605, %dma_start3A_613] : memref<409600x32xf32, #tpu.memory_space<hbm>> -> memref<800x32xf32, #tpu.memory_space<hbm>>
    %dma_start3A_615 = arith.constant 0 : i32
    %dma_start3A_616 = arith.constant 0 : i32
    %dma_start3A_617 = tpu.memref_slice %arg6[%dma_start3A_606, %dma_start3A_615, %dma_start3A_616] : memref<4x800x32xf32, #tpu.memory_space<vmem>> -> memref<1x800x32xf32, #tpu.memory_space<vmem>>
    %dma_start3A_618 = tpu.memref_squeeze %dma_start3A_617 : memref<1x800x32xf32, #tpu.memory_space<vmem>> -> memref<800x32xf32, #tpu.memory_space<vmem>>
    tpu.enqueue_dma source(%dma_start3A_618 : memref<800x32xf32, #tpu.memory_space<vmem>>) target(%dma_start3A_614 : memref<800x32xf32, #tpu.memory_space<hbm>>) target_semaphore(%arg11 : memref<!tpu.dma_semaphore, #tpu.memory_space<semaphore_mem>>)
    %dma_wait3A_619 = arith.constant 3 : i32
    %dma_wait3A_620 = arith.constant 0 : i32
    %dma_wait3A_621 = arith.constant 0 : i32
    %dma_wait3A_622 = tpu.memref_slice %arg6[%dma_wait3A_619, %dma_wait3A_620, %dma_wait3A_621] : memref<4x800x32xf32, #tpu.memory_space<vmem>> -> memref<1x800x32xf32, #tpu.memory_space<vmem>>
    %dma_wait3A_623 = tpu.memref_squeeze %dma_wait3A_622 : memref<1x800x32xf32, #tpu.memory_space<vmem>> -> memref<800x32xf32, #tpu.memory_space<vmem>>
    %dma_wait3A_624 = arith.constant 0 : i32
    %dma_wait3A_625 = tpu.memref_slice %arg4[%add3A_557, %dma_wait3A_624] : memref<409600x32xf32, #tpu.memory_space<hbm>> -> memref<800x32xf32, #tpu.memory_space<hbm>>
    %dma_wait3A_626 = arith.constant 0 : i32
    %dma_wait3A_627 = tpu.memref_slice %arg4[%add3A_557, %dma_wait3A_626] : memref<409600x32xf32, #tpu.memory_space<hbm>> -> memref<800x32xf32, #tpu.memory_space<hbm>>
    %dma_wait3A_628 = arith.constant 0 : i32
    %dma_wait3A_629 = arith.constant 0 : i32
    %dma_wait3A_630 = tpu.memref_slice %arg6[%dma_wait3A_619, %dma_wait3A_628, %dma_wait3A_629] : memref<4x800x32xf32, #tpu.memory_space<vmem>> -> memref<1x800x32xf32, #tpu.memory_space<vmem>>
    %dma_wait3A_631 = tpu.memref_squeeze %dma_wait3A_630 : memref<1x800x32xf32, #tpu.memory_space<vmem>> -> memref<800x32xf32, #tpu.memory_space<vmem>>
    tpu.wait_dma2 semaphore(%arg14 : memref<!tpu.dma_semaphore, #tpu.memory_space<semaphore_mem>>) src(%dma_wait3A_631 : memref<800x32xf32, #tpu.memory_space<vmem>>) dst(%dma_wait3A_627 : memref<800x32xf32, #tpu.memory_space<hbm>>)
    %dma_start3A_632 = arith.constant 3 : i32
    %dma_start3A_633 = arith.constant 0 : i32
    %dma_start3A_634 = arith.constant 0 : i32
    %dma_start3A_635 = tpu.memref_slice %arg6[%dma_start3A_632, %dma_start3A_633, %dma_start3A_634] : memref<4x800x32xf32, #tpu.memory_space<vmem>> -> memref<1x800x32xf32, #tpu.memory_space<vmem>>
    %dma_start3A_636 = tpu.memref_squeeze %dma_start3A_635 : memref<1x800x32xf32, #tpu.memory_space<vmem>> -> memref<800x32xf32, #tpu.memory_space<vmem>>
    %dma_start3A_637 = arith.constant 12000 : i32
    %dma_start3A_638 = tpu.memref_slice %arg5[%dma_start3A_637] : memref<12800xi32, #tpu.memory_space<vmem>> -> memref<800xi32, #tpu.memory_space<vmem>>
    %dma_start3A_639 = arith.constant 0 : i32
    %dma_start3A_640 = arith.constant 0 : i32
    %dma_start3A_641 = tpu.memref_slice %arg3[%dma_start3A_639, %dma_start3A_640] : memref<1000000x32xf32, #tpu.memory_space<hbm>> -> memref<1000000x32xf32, #tpu.memory_space<hbm>>
    tpu.enqueue_indirect_dma source(%dma_start3A_641 : memref<1000000x32xf32, #tpu.memory_space<hbm>>) target(%dma_start3A_636 : memref<800x32xf32, #tpu.memory_space<vmem>>) offsets(%dma_start3A_638 : memref<800xi32, #tpu.memory_space<vmem>>) semaphore(%arg10 : memref<!tpu.dma_semaphore, #tpu.memory_space<semaphore_mem>>)
    %dma_wait3A_642 = arith.constant 1 : i32
    %dma_wait3A_643 = arith.constant 0 : i32
    %dma_wait3A_644 = arith.constant 0 : i32
    %dma_wait3A_645 = tpu.memref_slice %arg6[%dma_wait3A_642, %dma_wait3A_643, %dma_wait3A_644] : memref<4x800x32xf32, #tpu.memory_space<vmem>> -> memref<1x800x32xf32, #tpu.memory_space<vmem>>
    %dma_wait3A_646 = tpu.memref_squeeze %dma_wait3A_645 : memref<1x800x32xf32, #tpu.memory_space<vmem>> -> memref<800x32xf32, #tpu.memory_space<vmem>>
    %dma_wait3A_647 = arith.constant 10400 : i32
    %dma_wait3A_648 = tpu.memref_slice %arg5[%dma_wait3A_647] : memref<12800xi32, #tpu.memory_space<vmem>> -> memref<800xi32, #tpu.memory_space<vmem>>
    %dma_wait3A_649 = arith.constant 0 : i32
    %dma_wait3A_650 = arith.constant 0 : i32
    %dma_wait3A_651 = tpu.memref_slice %arg3[%dma_wait3A_649, %dma_wait3A_650] : memref<1000000x32xf32, #tpu.memory_space<hbm>> -> memref<1000000x32xf32, #tpu.memory_space<hbm>>
    tpu.wait_indirect_dma semaphore(%arg8 : memref<!tpu.dma_semaphore, #tpu.memory_space<semaphore_mem>>) src(%dma_wait3A_651 : memref<1000000x32xf32, #tpu.memory_space<hbm>>) dst(%dma_wait3A_646 : memref<800x32xf32, #tpu.memory_space<vmem>>)
    %add3A_652 = arith.constant 10400 : i32
    %add3A_653 = arith.addi %mul3A_2, %add3A_652 : i32
    %dma_start3A_654 = arith.constant 1 : i32
    %dma_start3A_655 = arith.constant 0 : i32
    %dma_start3A_656 = arith.constant 0 : i32
    %dma_start3A_657 = tpu.memref_slice %arg6[%dma_start3A_654, %dma_start3A_655, %dma_start3A_656] : memref<4x800x32xf32, #tpu.memory_space<vmem>> -> memref<1x800x32xf32, #tpu.memory_space<vmem>>
    %dma_start3A_658 = tpu.memref_squeeze %dma_start3A_657 : memref<1x800x32xf32, #tpu.memory_space<vmem>> -> memref<800x32xf32, #tpu.memory_space<vmem>>
    %dma_start3A_659 = arith.constant 0 : i32
    %dma_start3A_660 = tpu.memref_slice %arg4[%add3A_653, %dma_start3A_659] : memref<409600x32xf32, #tpu.memory_space<hbm>> -> memref<800x32xf32, #tpu.memory_space<hbm>>
    %dma_start3A_661 = arith.constant 0 : i32
    %dma_start3A_662 = tpu.memref_slice %arg4[%add3A_653, %dma_start3A_661] : memref<409600x32xf32, #tpu.memory_space<hbm>> -> memref<800x32xf32, #tpu.memory_space<hbm>>
    %dma_start3A_663 = arith.constant 0 : i32
    %dma_start3A_664 = arith.constant 0 : i32
    %dma_start3A_665 = tpu.memref_slice %arg6[%dma_start3A_654, %dma_start3A_663, %dma_start3A_664] : memref<4x800x32xf32, #tpu.memory_space<vmem>> -> memref<1x800x32xf32, #tpu.memory_space<vmem>>
    %dma_start3A_666 = tpu.memref_squeeze %dma_start3A_665 : memref<1x800x32xf32, #tpu.memory_space<vmem>> -> memref<800x32xf32, #tpu.memory_space<vmem>>
    tpu.enqueue_dma source(%dma_start3A_666 : memref<800x32xf32, #tpu.memory_space<vmem>>) target(%dma_start3A_662 : memref<800x32xf32, #tpu.memory_space<hbm>>) target_semaphore(%arg12 : memref<!tpu.dma_semaphore, #tpu.memory_space<semaphore_mem>>)
    %dma_wait3A_667 = arith.constant 2 : i32
    %dma_wait3A_668 = arith.constant 0 : i32
    %dma_wait3A_669 = arith.constant 0 : i32
    %dma_wait3A_670 = tpu.memref_slice %arg6[%dma_wait3A_667, %dma_wait3A_668, %dma_wait3A_669] : memref<4x800x32xf32, #tpu.memory_space<vmem>> -> memref<1x800x32xf32, #tpu.memory_space<vmem>>
    %dma_wait3A_671 = tpu.memref_squeeze %dma_wait3A_670 : memref<1x800x32xf32, #tpu.memory_space<vmem>> -> memref<800x32xf32, #tpu.memory_space<vmem>>
    %dma_wait3A_672 = arith.constant 11200 : i32
    %dma_wait3A_673 = tpu.memref_slice %arg5[%dma_wait3A_672] : memref<12800xi32, #tpu.memory_space<vmem>> -> memref<800xi32, #tpu.memory_space<vmem>>
    %dma_wait3A_674 = arith.constant 0 : i32
    %dma_wait3A_675 = arith.constant 0 : i32
    %dma_wait3A_676 = tpu.memref_slice %arg3[%dma_wait3A_674, %dma_wait3A_675] : memref<1000000x32xf32, #tpu.memory_space<hbm>> -> memref<1000000x32xf32, #tpu.memory_space<hbm>>
    tpu.wait_indirect_dma semaphore(%arg9 : memref<!tpu.dma_semaphore, #tpu.memory_space<semaphore_mem>>) src(%dma_wait3A_676 : memref<1000000x32xf32, #tpu.memory_space<hbm>>) dst(%dma_wait3A_671 : memref<800x32xf32, #tpu.memory_space<vmem>>)
    %add3A_677 = arith.constant 11200 : i32
    %add3A_678 = arith.addi %mul3A_2, %add3A_677 : i32
    %dma_start3A_679 = arith.constant 2 : i32
    %dma_start3A_680 = arith.constant 0 : i32
    %dma_start3A_681 = arith.constant 0 : i32
    %dma_start3A_682 = tpu.memref_slice %arg6[%dma_start3A_679, %dma_start3A_680, %dma_start3A_681] : memref<4x800x32xf32, #tpu.memory_space<vmem>> -> memref<1x800x32xf32, #tpu.memory_space<vmem>>
    %dma_start3A_683 = tpu.memref_squeeze %dma_start3A_682 : memref<1x800x32xf32, #tpu.memory_space<vmem>> -> memref<800x32xf32, #tpu.memory_space<vmem>>
    %dma_start3A_684 = arith.constant 0 : i32
    %dma_start3A_685 = tpu.memref_slice %arg4[%add3A_678, %dma_start3A_684] : memref<409600x32xf32, #tpu.memory_space<hbm>> -> memref<800x32xf32, #tpu.memory_space<hbm>>
    %dma_start3A_686 = arith.constant 0 : i32
    %dma_start3A_687 = tpu.memref_slice %arg4[%add3A_678, %dma_start3A_686] : memref<409600x32xf32, #tpu.memory_space<hbm>> -> memref<800x32xf32, #tpu.memory_space<hbm>>
    %dma_start3A_688 = arith.constant 0 : i32
    %dma_start3A_689 = arith.constant 0 : i32
    %dma_start3A_690 = tpu.memref_slice %arg6[%dma_start3A_679, %dma_start3A_688, %dma_start3A_689] : memref<4x800x32xf32, #tpu.memory_space<vmem>> -> memref<1x800x32xf32, #tpu.memory_space<vmem>>
    %dma_start3A_691 = tpu.memref_squeeze %dma_start3A_690 : memref<1x800x32xf32, #tpu.memory_space<vmem>> -> memref<800x32xf32, #tpu.memory_space<vmem>>
    tpu.enqueue_dma source(%dma_start3A_691 : memref<800x32xf32, #tpu.memory_space<vmem>>) target(%dma_start3A_687 : memref<800x32xf32, #tpu.memory_space<hbm>>) target_semaphore(%arg13 : memref<!tpu.dma_semaphore, #tpu.memory_space<semaphore_mem>>)
    %dma_wait3A_692 = arith.constant 3 : i32
    %dma_wait3A_693 = arith.constant 0 : i32
    %dma_wait3A_694 = arith.constant 0 : i32
    %dma_wait3A_695 = tpu.memref_slice %arg6[%dma_wait3A_692, %dma_wait3A_693, %dma_wait3A_694] : memref<4x800x32xf32, #tpu.memory_space<vmem>> -> memref<1x800x32xf32, #tpu.memory_space<vmem>>
    %dma_wait3A_696 = tpu.memref_squeeze %dma_wait3A_695 : memref<1x800x32xf32, #tpu.memory_space<vmem>> -> memref<800x32xf32, #tpu.memory_space<vmem>>
    %dma_wait3A_697 = arith.constant 12000 : i32
    %dma_wait3A_698 = tpu.memref_slice %arg5[%dma_wait3A_697] : memref<12800xi32, #tpu.memory_space<vmem>> -> memref<800xi32, #tpu.memory_space<vmem>>
    %dma_wait3A_699 = arith.constant 0 : i32
    %dma_wait3A_700 = arith.constant 0 : i32
    %dma_wait3A_701 = tpu.memref_slice %arg3[%dma_wait3A_699, %dma_wait3A_700] : memref<1000000x32xf32, #tpu.memory_space<hbm>> -> memref<1000000x32xf32, #tpu.memory_space<hbm>>
    tpu.wait_indirect_dma semaphore(%arg10 : memref<!tpu.dma_semaphore, #tpu.memory_space<semaphore_mem>>) src(%dma_wait3A_701 : memref<1000000x32xf32, #tpu.memory_space<hbm>>) dst(%dma_wait3A_696 : memref<800x32xf32, #tpu.memory_space<vmem>>)
    %add3A_702 = arith.constant 12000 : i32
    %add3A_703 = arith.addi %mul3A_2, %add3A_702 : i32
    %dma_start3A_704 = arith.constant 3 : i32
    %dma_start3A_705 = arith.constant 0 : i32
    %dma_start3A_706 = arith.constant 0 : i32
    %dma_start3A_707 = tpu.memref_slice %arg6[%dma_start3A_704, %dma_start3A_705, %dma_start3A_706] : memref<4x800x32xf32, #tpu.memory_space<vmem>> -> memref<1x800x32xf32, #tpu.memory_space<vmem>>
    %dma_start3A_708 = tpu.memref_squeeze %dma_start3A_707 : memref<1x800x32xf32, #tpu.memory_space<vmem>> -> memref<800x32xf32, #tpu.memory_space<vmem>>
    %dma_start3A_709 = arith.constant 0 : i32
    %dma_start3A_710 = tpu.memref_slice %arg4[%add3A_703, %dma_start3A_709] : memref<409600x32xf32, #tpu.memory_space<hbm>> -> memref<800x32xf32, #tpu.memory_space<hbm>>
    %dma_start3A_711 = arith.constant 0 : i32
    %dma_start3A_712 = tpu.memref_slice %arg4[%add3A_703, %dma_start3A_711] : memref<409600x32xf32, #tpu.memory_space<hbm>> -> memref<800x32xf32, #tpu.memory_space<hbm>>
    %dma_start3A_713 = arith.constant 0 : i32
    %dma_start3A_714 = arith.constant 0 : i32
    %dma_start3A_715 = tpu.memref_slice %arg6[%dma_start3A_704, %dma_start3A_713, %dma_start3A_714] : memref<4x800x32xf32, #tpu.memory_space<vmem>> -> memref<1x800x32xf32, #tpu.memory_space<vmem>>
    %dma_start3A_716 = tpu.memref_squeeze %dma_start3A_715 : memref<1x800x32xf32, #tpu.memory_space<vmem>> -> memref<800x32xf32, #tpu.memory_space<vmem>>
    tpu.enqueue_dma source(%dma_start3A_716 : memref<800x32xf32, #tpu.memory_space<vmem>>) target(%dma_start3A_712 : memref<800x32xf32, #tpu.memory_space<hbm>>) target_semaphore(%arg14 : memref<!tpu.dma_semaphore, #tpu.memory_space<semaphore_mem>>)
    %dma_wait3A_717 = arith.constant 0 : i32
    %dma_wait3A_718 = arith.constant 0 : i32
    %dma_wait3A_719 = arith.constant 0 : i32
    %dma_wait3A_720 = tpu.memref_slice %arg6[%dma_wait3A_717, %dma_wait3A_718, %dma_wait3A_719] : memref<4x800x32xf32, #tpu.memory_space<vmem>> -> memref<1x800x32xf32, #tpu.memory_space<vmem>>
    %dma_wait3A_721 = tpu.memref_squeeze %dma_wait3A_720 : memref<1x800x32xf32, #tpu.memory_space<vmem>> -> memref<800x32xf32, #tpu.memory_space<vmem>>
    %dma_wait3A_722 = arith.constant 0 : i32
    %dma_wait3A_723 = tpu.memref_slice %arg4[%add3A_605, %dma_wait3A_722] : memref<409600x32xf32, #tpu.memory_space<hbm>> -> memref<800x32xf32, #tpu.memory_space<hbm>>
    %dma_wait3A_724 = arith.constant 0 : i32
    %dma_wait3A_725 = tpu.memref_slice %arg4[%add3A_605, %dma_wait3A_724] : memref<409600x32xf32, #tpu.memory_space<hbm>> -> memref<800x32xf32, #tpu.memory_space<hbm>>
    %dma_wait3A_726 = arith.constant 0 : i32
    %dma_wait3A_727 = arith.constant 0 : i32
    %dma_wait3A_728 = tpu.memref_slice %arg6[%dma_wait3A_717, %dma_wait3A_726, %dma_wait3A_727] : memref<4x800x32xf32, #tpu.memory_space<vmem>> -> memref<1x800x32xf32, #tpu.memory_space<vmem>>
    %dma_wait3A_729 = tpu.memref_squeeze %dma_wait3A_728 : memref<1x800x32xf32, #tpu.memory_space<vmem>> -> memref<800x32xf32, #tpu.memory_space<vmem>>
    tpu.wait_dma2 semaphore(%arg11 : memref<!tpu.dma_semaphore, #tpu.memory_space<semaphore_mem>>) src(%dma_wait3A_729 : memref<800x32xf32, #tpu.memory_space<vmem>>) dst(%dma_wait3A_725 : memref<800x32xf32, #tpu.memory_space<hbm>>)
    %dma_wait3A_730 = arith.constant 1 : i32
    %dma_wait3A_731 = arith.constant 0 : i32
    %dma_wait3A_732 = arith.constant 0 : i32
    %dma_wait3A_733 = tpu.memref_slice %arg6[%dma_wait3A_730, %dma_wait3A_731, %dma_wait3A_732] : memref<4x800x32xf32, #tpu.memory_space<vmem>> -> memref<1x800x32xf32, #tpu.memory_space<vmem>>
    %dma_wait3A_734 = tpu.memref_squeeze %dma_wait3A_733 : memref<1x800x32xf32, #tpu.memory_space<vmem>> -> memref<800x32xf32, #tpu.memory_space<vmem>>
    %dma_wait3A_735 = arith.constant 0 : i32
    %dma_wait3A_736 = tpu.memref_slice %arg4[%add3A_653, %dma_wait3A_735] : memref<409600x32xf32, #tpu.memory_space<hbm>> -> memref<800x32xf32, #tpu.memory_space<hbm>>
    %dma_wait3A_737 = arith.constant 0 : i32
    %dma_wait3A_738 = tpu.memref_slice %arg4[%add3A_653, %dma_wait3A_737] : memref<409600x32xf32, #tpu.memory_space<hbm>> -> memref<800x32xf32, #tpu.memory_space<hbm>>
    %dma_wait3A_739 = arith.constant 0 : i32
    %dma_wait3A_740 = arith.constant 0 : i32
    %dma_wait3A_741 = tpu.memref_slice %arg6[%dma_wait3A_730, %dma_wait3A_739, %dma_wait3A_740] : memref<4x800x32xf32, #tpu.memory_space<vmem>> -> memref<1x800x32xf32, #tpu.memory_space<vmem>>
    %dma_wait3A_742 = tpu.memref_squeeze %dma_wait3A_741 : memref<1x800x32xf32, #tpu.memory_space<vmem>> -> memref<800x32xf32, #tpu.memory_space<vmem>>
    tpu.wait_dma2 semaphore(%arg12 : memref<!tpu.dma_semaphore, #tpu.memory_space<semaphore_mem>>) src(%dma_wait3A_742 : memref<800x32xf32, #tpu.memory_space<vmem>>) dst(%dma_wait3A_738 : memref<800x32xf32, #tpu.memory_space<hbm>>)
    %dma_wait3A_743 = arith.constant 2 : i32
    %dma_wait3A_744 = arith.constant 0 : i32
    %dma_wait3A_745 = arith.constant 0 : i32
    %dma_wait3A_746 = tpu.memref_slice %arg6[%dma_wait3A_743, %dma_wait3A_744, %dma_wait3A_745] : memref<4x800x32xf32, #tpu.memory_space<vmem>> -> memref<1x800x32xf32, #tpu.memory_space<vmem>>
    %dma_wait3A_747 = tpu.memref_squeeze %dma_wait3A_746 : memref<1x800x32xf32, #tpu.memory_space<vmem>> -> memref<800x32xf32, #tpu.memory_space<vmem>>
    %dma_wait3A_748 = arith.constant 0 : i32
    %dma_wait3A_749 = tpu.memref_slice %arg4[%add3A_678, %dma_wait3A_748] : memref<409600x32xf32, #tpu.memory_space<hbm>> -> memref<800x32xf32, #tpu.memory_space<hbm>>
    %dma_wait3A_750 = arith.constant 0 : i32
    %dma_wait3A_751 = tpu.memref_slice %arg4[%add3A_678, %dma_wait3A_750] : memref<409600x32xf32, #tpu.memory_space<hbm>> -> memref<800x32xf32, #tpu.memory_space<hbm>>
    %dma_wait3A_752 = arith.constant 0 : i32
    %dma_wait3A_753 = arith.constant 0 : i32
    %dma_wait3A_754 = tpu.memref_slice %arg6[%dma_wait3A_743, %dma_wait3A_752, %dma_wait3A_753] : memref<4x800x32xf32, #tpu.memory_space<vmem>> -> memref<1x800x32xf32, #tpu.memory_space<vmem>>
    %dma_wait3A_755 = tpu.memref_squeeze %dma_wait3A_754 : memref<1x800x32xf32, #tpu.memory_space<vmem>> -> memref<800x32xf32, #tpu.memory_space<vmem>>
    tpu.wait_dma2 semaphore(%arg13 : memref<!tpu.dma_semaphore, #tpu.memory_space<semaphore_mem>>) src(%dma_wait3A_755 : memref<800x32xf32, #tpu.memory_space<vmem>>) dst(%dma_wait3A_751 : memref<800x32xf32, #tpu.memory_space<hbm>>)
    %dma_wait3A_756 = arith.constant 3 : i32
    %dma_wait3A_757 = arith.constant 0 : i32
    %dma_wait3A_758 = arith.constant 0 : i32
    %dma_wait3A_759 = tpu.memref_slice %arg6[%dma_wait3A_756, %dma_wait3A_757, %dma_wait3A_758] : memref<4x800x32xf32, #tpu.memory_space<vmem>> -> memref<1x800x32xf32, #tpu.memory_space<vmem>>
    %dma_wait3A_760 = tpu.memref_squeeze %dma_wait3A_759 : memref<1x800x32xf32, #tpu.memory_space<vmem>> -> memref<800x32xf32, #tpu.memory_space<vmem>>
    %dma_wait3A_761 = arith.constant 0 : i32
    %dma_wait3A_762 = tpu.memref_slice %arg4[%add3A_703, %dma_wait3A_761] : memref<409600x32xf32, #tpu.memory_space<hbm>> -> memref<800x32xf32, #tpu.memory_space<hbm>>
    %dma_wait3A_763 = arith.constant 0 : i32
    %dma_wait3A_764 = tpu.memref_slice %arg4[%add3A_703, %dma_wait3A_763] : memref<409600x32xf32, #tpu.memory_space<hbm>> -> memref<800x32xf32, #tpu.memory_space<hbm>>
    %dma_wait3A_765 = arith.constant 0 : i32
    %dma_wait3A_766 = arith.constant 0 : i32
    %dma_wait3A_767 = tpu.memref_slice %arg6[%dma_wait3A_756, %dma_wait3A_765, %dma_wait3A_766] : memref<4x800x32xf32, #tpu.memory_space<vmem>> -> memref<1x800x32xf32, #tpu.memory_space<vmem>>
    %dma_wait3A_768 = tpu.memref_squeeze %dma_wait3A_767 : memref<1x800x32xf32, #tpu.memory_space<vmem>> -> memref<800x32xf32, #tpu.memory_space<vmem>>
    tpu.wait_dma2 semaphore(%arg14 : memref<!tpu.dma_semaphore, #tpu.memory_space<semaphore_mem>>) src(%dma_wait3A_768 : memref<800x32xf32, #tpu.memory_space<vmem>>) dst(%dma_wait3A_764 : memref<800x32xf32, #tpu.memory_space<hbm>>)
    return
  }
}

module attributes {stable_mosaic.version = 14 : i64} {
  func.func @body(%arg0: i32, %arg1: memref<32x8192xf32, #tpu.memory_space<vmem>>, %arg2: memref<8192x32xf32, #tpu.memory_space<vmem>>) attributes {dimension_semantics = [#tpu.dimension_semantics<arbitrary>], iteration_bounds = array<i64: 123>, scalar_prefetch = 0 : i64, scratch_operands = 0 : i64, tpu.core_type = #tpu.core_type<tc>, window_params = [{transform_indices = @transform_0, window_bounds = array<i64: 32, 8192>}, {transform_indices = @transform_1, window_bounds = array<i64: 8192, 32>}]} {
    %get3A = arith.constant 0 : index
    %get3A_0 = arith.constant 0 : index
    %get3A_1 = vector.load %arg1[%get3A, %get3A_0] : memref<32x8192xf32, #tpu.memory_space<vmem>>, vector<32x8192xf32>
    %transpose3A = tpu.transpose %get3A_1, [1, 0] : vector<32x8192xf32> -> vector<8192x32xf32>
    %swap3A = arith.constant 0 : index
    %swap3A_2 = arith.constant 0 : index
    %swap3A_3 = vector.load %arg2[%swap3A, %swap3A_2] : memref<8192x32xf32, #tpu.memory_space<vmem>>, vector<8192x32xf32>
    tpu.vector_store %arg2[%swap3A, %swap3A_2], %transpose3A {strides = array<i32>} : memref<8192x32xf32, #tpu.memory_space<vmem>>, vector<8192x32xf32>,
    return
  }
  func.func @transform_0(%arg0: i32) -> (i32, i32) {
    %c0_i32 = arith.constant 0 : i32
    %c0_i32_0 = arith.constant 0 : i32
    return %c0_i32, %arg0 : i32, i32
  }
  func.func @transform_1(%arg0: i32) -> (i32, i32) {
    %c0_i32 = arith.constant 0 : i32
    %c0_i32_0 = arith.constant 0 : i32
    return %arg0, %c0_i32 : i32, i32
  }
}

module attributes {stable_mosaic.version = 14 : i64} {
  func.func @body(%arg0: i32, %arg1: i32, %arg2: memref<4096x32xf32, #tpu.memory_space<vmem>>, %arg3: memref<1x32x4096xf32, #tpu.memory_space<vmem>>) attributes {dimension_semantics = [#tpu.dimension_semantics<arbitrary>, #tpu.dimension_semantics<arbitrary>], iteration_bounds = array<i64: 50, 2>, scalar_prefetch = 0 : i64, scratch_operands = 0 : i64, tpu.core_type = #tpu.core_type<tc>, window_params = [{transform_indices = @transform_0, window_bounds = array<i64: 4096, 32>}, {transform_indices = @transform_1, window_bounds = array<i64: 1, 32, 4096>}]} {
    %get3A = arith.constant 0 : index
    %get3A_0 = arith.constant 0 : index
    %get3A_1 = vector.load %arg2[%get3A, %get3A_0] : memref<4096x32xf32, #tpu.memory_space<vmem>>, vector<4096x32xf32>
    %transpose3A = tpu.transpose %get3A_1, [1, 0] : vector<4096x32xf32> -> vector<32x4096xf32>
    %swap3A = arith.constant 0 : index
    %swap3A_2 = arith.constant 0 : index
    %swap3A_3 = arith.constant 0 : index
    %swap3A_4 = vector.load %arg3[%swap3A, %swap3A_2, %swap3A_3] : memref<1x32x4096xf32, #tpu.memory_space<vmem>>, vector<1x32x4096xf32>
    %swap3A_5 = vector.shape_cast %swap3A_4 : vector<1x32x4096xf32> to vector<32x4096xf32>
    %swap3A_6 = vector.shape_cast %transpose3A : vector<32x4096xf32> to vector<1x32x4096xf32>
    tpu.vector_store %arg3[%swap3A, %swap3A_2, %swap3A_3], %swap3A_6 {strides = array<i32>} : memref<1x32x4096xf32, #tpu.memory_space<vmem>>, vector<1x32x4096xf32>,
    return
  }
  func.func @transform_0(%arg0: i32, %arg1: i32) -> (i32, i32) {
    %mul3A = arith.constant 2 : i32
    %mul3A_0 = arith.muli %arg0, %mul3A : i32
    %add3A = arith.addi %mul3A_0, %arg1 : i32
    %c0_i32 = arith.constant 0 : i32
    %c0_i32_1 = arith.constant 0 : i32
    return %add3A, %c0_i32 : i32, i32
  }
  func.func @transform_1(%arg0: i32, %arg1: i32) -> (i32, i32, i32) {
    %c0_i32 = arith.constant 0 : i32
    %c0_i32_0 = arith.constant 0 : i32
    return %arg0, %arg1, %c0_i32 : i32, i32, i32
  }
}

</mosaic_0001>

<sc_bundles>
// kernel: kernel.5.cloned.1.call-start
scs
__scs_entry_jumppad:
0x0: {  	(pc) =	sbr.rel $0x88, $3  }
0x1: {  	(tag) =	ssettag $0x0;
	lr =	simm.s32 $0x1  }
0x2: {  	[smem:$0x3F9E] =	sst lr;
	_ =	strace $0xD0000000  }
0x3: {  	_ = 	snop  }
0x4: {  	_ = 	snop  }
0x5: {  	_ = 	snop  }
0x6: {  	_ = 	snop  }
0x7: {  	_ = 	snop  }
__scs_overlays_trampoline_lowered:
0x8: {  	[smem:$0x3FAD] =	sst s0  }
0x9: {  	[smem:$0x3FAE] =	sst s1  }
0xa: {  	[smem:$0x3FAF] =	sst s2  }
0xb: {  	[smem:$0x3FB0] =	sst s3  }
0xc: {  	[smem:$0x3FB1] =	sst s4  }
0xd: {  	[smem:$0x3FB2] =	sst s5  }
0xe: {  	[smem:$0x3FB3] =	sst s6  }
0xf: {  	[smem:$0x3FB4] =	sst s7  }
0x10: {  	[smem:$0x3FB5] =	sst s8  }
0x11: {  	[smem:$0x3FB6] =	sst s9;
	s0 =	simm.s32 @!p0 $0x0  }
0x12: {  	s1 =	sld [smem:$0x3F9C];
	s0 =	simm.s32 @p0 $0x1  }
0x13: {  	[smem:$0x3FB7] =	sst s0;
	s0 =	simm.s32 @!p1 $0x0  }
0x14: {  	s2 =	sld [smem:$0x3F9B];
	s0 =	simm.s32 @p1 $0x1  }
0x15: {  	[smem:$0x3FB8] =	sst s0;
	s0 =	simm.s32 @!p2 $0x0  }
0x16: {  	s3 =	sld [smem:$0x3FDB];
	s0 =	simm.s32 @p2 $0x1  }
0x17: {  	s4 =	simm.s32 $0x1BF5;
	[smem:$0x3FBA] =	sst s0  }
0x18: {  	s0 =	sld [smem:$0x3F9D];
	_ =	swait.ge [sflag:s4], $0x0  }
0x19: {  	s7 =	sld [smem:$0x3F9E]  }
0x1a: {  	s8 =	sadd.s32 $0xFFFFE003, lr  }
0x1b: {  	s9 =	sadd.s32 $0xFFFFFEF7, lr;
	s5 =	simm.s32 $0xFFFFFFFF;
	p2 =	slt.u32 s8, $0xFFFFF086  }
0x1c: {  	p1 =	slt.u32 s9, $0xF7A;
	s5 =	simm.s32 @!p2 $0x0  }
0x1d: {  	s5 =	simm.s32 @p1 $0x1;
	p0 =	seq.s32 s7, s2  }
0x1e: {  	s7 =	smul.u32 @!p0 $0xF7A, s2;
	p2 =	seq.s32 @!p0 s5, $0x0  }
0x1f: {  	s9 =	smul.u32 $0xF7A, s1;
	s8 =	simm.s32 @!p0 $0x1BF5;
	p2 =	por !p2, p0  }
0x20: {  	[sflag:s8] =	ssyncset.s32 @!p0 $0xFFFFF086;
	s6 =	sadd.s32 @!p0 s3, s7;
	s7 =	simm.s32 @!p0 $0x108  }
0x21: {  	s3 =	sadd.s32 s3, s9;
	s6 =	sadd.s32 @!p0 $0x88, s6;
	s7 =	simm.s32 @p2 $0x1082  }
0x22: {  	[simem:s7], [sflag:s8] =	dma.local @!p0 [hbm:s6], $0xF7A  }
0x23: {  	s9 =	sor.u32 $0xD0000000, s2;
	s6 =	simm.s32 $0x108;
	_ =	swait.ge @!p0 [sflag:s8], $0x0  }
0x24: {  	s3 =	sadd.s32 $0x88, s3;
	s6 =	simm.s32 @!p1 $0x1082;
	[sflag:s4] =	ssyncset.s32 $0xFFFFF086  }
0x25: {  	[simem:s6], [sflag:s4] =	dma.local [hbm:s3], $0xF7A  }
0x26: {  	[smem:$0x3F9E] =	sst s1;
	(tag) =	ssettag s2;
	_ =	strace s9  }
0x27: {  	s1 =	sld [smem:$0x3FAE]  }
0x28: {  	s2 =	sld [smem:$0x3FAF]  }
0x29: {  	s4 =	sld [smem:$0x3FB1]  }
0x2a: {  	p0 =	seq.s32 s5, $0x0;
	s5 =	sld [smem:$0x3FB2]  }
0x2b: {  	s6 =	sld [smem:$0x3FB3]  }
0x2c: {  	s7 =	sld [smem:$0x3FB4]  }
0x2d: {  	s3 =	simm.s32 $0x108;
	s8 =	sld [smem:$0x3FB5]  }
0x2e: {  	s3 =	simm.s32 @!p0 $0x1082;
	s9 =	sld [smem:$0x3FB6]  }
0x2f: {  	lr =	sadd.s32 s0, s3;
	s0 =	sld [smem:$0x3FAD]  }
0x30: {  	s3 =	sld [smem:$0x3FB0]  }
0x31: {  	[smem:$0x3FB9] =	sst s10  }
0x32: {  	s10 =	sld [smem:$0x3FB7];
	_ =	sdelay $0x3  }
0x33: {  	p0 =	seq.s32 s10, $0x1;
	s10 =	sld [smem:$0x3FB9];
	_ =	sdelay $0x3  }
0x34: {  	[smem:$0x3FB9] =	sst s10  }
0x35: {  	s10 =	sld [smem:$0x3FB8];
	_ =	sdelay $0x3  }
0x36: {  	p1 =	seq.s32 s10, $0x1;
	s10 =	sld [smem:$0x3FB9];
	_ =	sdelay $0x3  }
0x37: {  	[smem:$0x3FB9] =	sst s10  }
0x38: {  	s10 =	sld [smem:$0x3FBA]  }
0x39: {  	_ = 	snop;
	(pc) =	sbr.ind lr, $3  }
0x3a: {  	_ = 	snop  }
0x3b: {  	_ = 	snop  }
0x3c: {  	p2 =	seq.s32 s10, $0x1;
	s10 =	sld [smem:$0x3FB9]  }
0x3d: {  	_ =	shalt  }
0x3e: {  	_ =	shalt  }
0x3f: {  	_ =	shalt  }
0x40: {  	_ =	shalt  }
0x41: {  	_ =	shalt  }
0x42: {  	_ =	shalt  }
0x43: {  	_ =	shalt  }
0x44: {  	_ =	shalt  }
0x45: {  	_ =	shalt  }
0x46: {  	_ =	shalt  }
0x47: {  	_ =	shalt  }
0x48: {  	_ =	shalt  }
0x49: {  	_ =	shalt  }
0x4a: {  	_ =	shalt  }
0x4b: {  	_ =	shalt  }
0x4c: {  	_ =	shalt  }
0x4d: {  	_ =	shalt  }
0x4e: {  	_ =	shalt  }
0x4f: {  	_ =	shalt  }
0x50: {  	_ =	shalt  }
0x51: {  	_ =	shalt  }
0x52: {  	_ =	shalt  }
0x53: {  	_ =	shalt  }
0x54: {  	_ =	shalt  }
0x55: {  	_ =	shalt  }
0x56: {  	_ =	shalt  }
0x57: {  	_ =	shalt  }
0x58: {  	_ =	shalt  }
0x59: {  	_ =	shalt  }
0x5a: {  	_ =	shalt  }
0x5b: {  	_ =	shalt  }
0x5c: {  	_ =	shalt  }
0x5d: {  	_ =	shalt  }
0x5e: {  	_ =	shalt  }
0x5f: {  	_ =	shalt  }
0x60: {  	_ =	shalt  }
0x61: {  	_ =	shalt  }
0x62: {  	_ =	shalt  }
0x63: {  	_ =	shalt  }
0x64: {  	_ =	shalt  }
0x65: {  	_ =	shalt  }
0x66: {  	_ =	shalt  }
0x67: {  	_ =	shalt  }
0x68: {  	_ =	shalt  }
0x69: {  	_ =	shalt  }
0x6a: {  	_ =	shalt  }
0x6b: {  	_ =	shalt  }
0x6c: {  	_ =	shalt  }
0x6d: {  	_ =	shalt  }
0x6e: {  	_ =	shalt  }
0x6f: {  	_ =	shalt  }
0x70: {  	_ =	shalt  }
0x71: {  	_ =	shalt  }
0x72: {  	_ =	shalt  }
0x73: {  	_ =	shalt  }
0x74: {  	_ =	shalt  }
0x75: {  	_ =	shalt  }
0x76: {  	_ =	shalt  }
0x77: {  	_ =	shalt  }
0x78: {  	_ =	shalt  }
0x79: {  	_ =	shalt  }
0x7a: {  	_ =	shalt  }
0x7b: {  	_ =	shalt  }
0x7c: {  	_ =	shalt  }
0x7d: {  	_ =	shalt  }
0x7e: {  	_ =	shalt  }
0x7f: {  	_ =	shalt  }
0x80: {  	_ =	shalt  }
0x81: {  	_ =	shalt  }
0x82: {  	_ =	shalt  }
0x83: {  	_ =	shalt  }
0x84: {  	_ =	shalt  }
0x85: {  	_ =	shalt  }
0x86: {  	_ =	shalt  }
0x87: {  	_ =	shalt  }
.Lfunc_end0:
.L_simem_size_0:
called_computation_lowered:
.L_overlay_start_0:
0x88: {  	s2 =	sld [smem:$0x3FD9]  }
0x89: {  	s3 =	sld [smem:$0x3FFE];
	_ =	sdelay $0x1  }
0x8a: {  	s1 =	srdreg.scid  }
0x8b: {  	s0 =	sand.u32 $0x1, s1  }
0x8c: {  	s14 =	sshll.u32 s0, $0xA;
	s2 =	sadd.s32 s3, s2  }
0x8d: {  	s2 =	sadd.s32 s2, s14  }
0x8e: {  	[smem:$0x3FC5] =	sst s2  }
0x8f: {  	_ = 	snop  }
0x90: {  	s2 =	sld [smem:$0x3FD0];
	_ =	sdelay $0x2  }
0x91: {  	s15 =	simm.s32 $0xA;
	s4 =	simm.s32 $0x10  }
0x92: {  	[smem:s4], [sflag:s15] =	dma.local [hbm:s2], $0x1  }
0x93: {  	_ =	swait.eq [sflag:s15], $0x1  }
0x94: {  	[sflag:s15] =	ssyncset.done $0x0  }
0x95: {  	[sflag:s15] =	ssyncadd.s32 $0xFFFFFFFF  }
0x96: {  	s16 =	sld [smem:$0x10];
	(tm) =	ssettm $0x1  }
0x97: {  	s17 =	sld [smem:$0x3FFB];
	_ =	sdelay $0x3  }
0x98: {  	_ =	strace s17  }
0x99: {  	s3 =	sld [smem:$0x3FFC];
	_ =	sdelay $0x3  }
0x9a: {  	_ =	strace s3  }
0x9b: {  	s3 =	sld [smem:$0x3FFD];
	_ =	sdelay $0x3  }
0x9c: {  	_ =	strace s3  }
0x9d: {  	_ =	strace $0x8FFFFFFF  }
0x9e: {  	s18 =	sld [smem:$0x3FDB];
	_ =	sdelay $0x1  }
0x9f: {  	s19 =	simm.s32 $_scs_section_size  }
0xa0: {  	s5 =	simm.s32 $_size__tile_overlayer_lowered;
	s6 =	simm.s32 $_tile_overlayer_lowered  }
0xa1: {  	s22 =	simm.s32 $0x1BFF;
	s21 =	sshll.u32 s6, $0x1;
	s3 =	sadd.s32 s19, s18  }
0xa2: {  	s7 =	simm.s32 $0x0;
	s20 =	sshll.u32 s5, $0x1;
	s5 =	sadd.s32 s21, s3  }
0xa3: {  	[timem:s7], [sflag:s22] =	dma.local [hbm:s5], s20  }
0xa4: {  	_ =	swait.ge [sflag:s22], s20  }
0xa5: {  	s4 =	ssub.s32 $0x0, s20;
	[sflag:s22] =	ssyncset.done $0x0  }
0xa6: {  	[sflag:s22] =	ssyncadd.s32 s4;
	_ =	sdelay $0x1  }
0xa7: {  	s23 =	simm.s32 $0x1B8B  }
0xa8: {  	_ =	swait.ge [sflag:s23], $0x1  }
0xa9: {  	[sflag:s23] =	ssyncset.done $0x0  }
0xaa: {  	s25 =	simm.s32 $0x1B8E;
	s24 =	sld [smem:$0x3FFE];
	[sflag:s23] =	ssyncadd.s32 $0xFFFFFFFF  }
0xab: {  	s26 =	simm.s32 $execute0_lowered;
	[smem:$0x3FD2] =	sst s25  }
0xac: {  	s5 =	sshll.u32 s26, $0x1;
	_ =	strace $0x80000046;
	[dreg:$0x1] =	wrdreg $0xFFFFFFFF  }
0xad: {  	s28 =	simm.s32 $_size_execute0_lowered;
	s3 =	sadd.s32 s3, s5;
	[dreg:$0x0] =	wrdreg $0x0  }
0xae: {  	s5 =	sshll.u32 s28, $0x1;
	[dreg:$0x2] =	wrdreg s3  }
0xaf: {  	[dreg:$0x3] =	wrdreg s5  }
0xb0: {  	[dreg:$0x4] =	wrdreg $0xC0  }
0xb1: {  	_ =	task [dreg:s7], $0x5FFFF  }
0xb2: {  	[dreg:$0x1] =	wrdreg $0xFFFFFFFF  }
0xb3: {  	[dreg:$0x0] =	wrdreg $0x60  }
0xb4: {  	[dreg:$0x2] =	wrdreg s24  }
0xb5: {  	[dreg:$0x3] =	wrdreg s16  }
0xb6: {  	[dreg:$0x4] =	wrdreg $0x9  }
0xb7: {  	_ =	task.clear_ibuf [dreg:s7], $0x5FFFF;
	_ =	strace $0x90000046  }
0xb8: {  	s29 =	simm.s32 $0x9;
	_ =	strace $0x80000048  }
0xb9: {  	_ =	swait.ge [sflag:s29], $0x1  }
0xba: {  	[sflag:s29] =	ssyncadd.s32 $0xFFFFFFFF  }
0xbb: {  	_ =	strace $0x90000048  }
0xbc: {  	_ =	sfence  }
0xbd: {  	s30 =	sld [smem:$0x0];
	_ =	sdelay $0x2  }
0xbe: {  	s31 =	sshll.u32 s1, $0xD;
	s1 =	sshrl.u32 s1, $0x2  }
0xbf: {  	s3 =	sand.u32 $0x4000, s31;
	s1 =	sadd.s32 s1, s30  }
0xc0: {  	s0 =	sor.u32 s3, s0;
	s1 =	sshll.u32 s1, $0x11  }
0xc1: {  	s0 =	sor.u32 s1, s0  }
0xc2: {  	s0 =	sadd.s32 $0x8F2B, s0  }
0xc3: {  	[sflag:s0] =	ssyncadd.remote.s32 $0x1  }
0xc4: {  	_ =	sfence.sel $0xFFFF  }
0xc5: {  	[dreg:$0x0] =	wrdreg $0xFFFFFFFF;
	(pc) =	sbr.abs _section_cstart, $3  }
0xc6: {  	[dreg:$0x1] =	wrdreg $0xFFFFFFFF  }
0xc7: {  	_ =	task.clear_ibuf [dreg:s7], $0x2FFFF;
	_ =	strace $0x9FFFFFFF  }
0xc8: {  	(tm) =	ssettm $0x7FFFFFFF  }
0xc9: {  	_ =	shalt  }
tec
execute0_lowered:
.L_overlay_start_1:
0x0: {  	(tag) =	ssettag $0x1  }
0x1: {  	s0 =	srdreg.scid;
	s1 =	stileid.u32  }
0x2: {  	s3 =	rddreg [dreg:$0x0];
	s0 =	sand.u32 $0x1, s0;
	s1 =	sshll.u32 s1, $0x1  }
0x3: {  	s4 =	rddreg [dreg:$0x1];
	s2 =	simm.s32 $0x0;
	s1 =	sor.u32 s0, s1  }
0x4: {  	s31 =	simm.s32 $0x9;
	s26 =	simm.s32 $0x640;
	s5 =	smul.u32 $0x640, s1  }
0x5: {  	s8 =	simm.s32 $0xFA00;
	s30 =	simm.s32 $0x960;
	s6 =	smul.u32 $0x64000, s1  }
0x6: {  	s7 =	simm.s32 $0x15E00;
	[smem:$0x7FF] =	sst s2;
	s1 =	smul.u32 $0xC800, s1  }
0x7: {  	s29 =	simm.s32 $0xC80;
	_ =	strace $0x80000047;
	[dreg:$0x14] =	wrdreg s26  }
0x8: {  	s5 =	sadd.s32 s5, s3;
	s6 =	sshrl.u32 s6, $0x3;
	s1 =	sadd.s32 s4, s1  }
0x9: {  	s5 =	sadd.s32 $0x800, s5;
	s4 =	sadd.s32 s4, s6;
	[dreg:$0x4] =	wrdreg s1  }
0xa: {  	s28 =	simm.s32 $0xFA0;
	[dreg:$0x3] =	wrdreg s5;
	s10 =	sadd.s32 $0xC80, s4  }
0xb: {  	p0 =	por $0x0, $0x0;
	s11 =	sadd.s32 $0x1900, s4;
	[dreg:$0x5] =	wrdreg s10  }
0xc: {  	s9 =	sadd.s32 $0xF42C00, s3;
	s12 =	sadd.s32 $0x2580, s4;
	[dreg:$0x6] =	wrdreg s11  }
0xd: {  	s0 =	ssub.s32 $0x2, s0;
	s13 =	sadd.s32 $0x3200, s4;
	[dreg:$0x7] =	wrdreg s12  }
0xe: {  	s26 =	simm.s32 $0x12C0;
	s14 =	sadd.s32 $0x3E80, s4;
	[dreg:$0x8] =	wrdreg s13  }
0xf: {  	s23 =	sshrl.u32 s0, $0x1;
	s15 =	sadd.s32 $0x4B00, s4;
	[dreg:$0x9] =	wrdreg s14  }
0x10: {  	s0 =	ssub.s32 s0, s23;
	s16 =	sadd.s32 $0x5780, s4;
	[dreg:$0xa] =	wrdreg s15  }
0x11: {  	s23 =	simm.s32 $0x1C20;
	s17 =	sadd.s32 $0x6400, s4;
	[dreg:$0xb] =	wrdreg s16  }
0x12: {  	s0 =	smax.u32 s0, $0x1;
	s18 =	sadd.s32 $0x7080, s4;
	[dreg:$0xc] =	wrdreg s17  }
0x13: {  	s3 =	simm.s32 $0x8;
	s19 =	sadd.s32 $0x7D00, s4;
	[dreg:$0xd] =	wrdreg s18  }
0x14: {  	s6 =	simm.s32 $0x7;
	s20 =	sadd.s32 $0x8980, s4;
	[dreg:$0xe] =	wrdreg s19  }
0x15: {  	p1 =	sne.s32 s0, $0x1;
	s21 =	sadd.s32 $0x9600, s4;
	[dreg:$0xf] =	wrdreg s20  }
0x16: {  	s1 =	sadd.s32 $0xFFFFFFFF, s0;
	s22 =	sadd.s32 $0xA280, s4;
	[dreg:$0x10] =	wrdreg s21  }
0x17: {  	s24 =	sadd.s32 $0xAF00, s4;
	s25 =	sadd.s32 $0xBB80, s4;
	[dreg:$0x11] =	wrdreg s22  }
0x18: {  	s4 =	simm.s32 $0x5;
	s5 =	simm.s32 $0x6;
	[dreg:$0x12] =	wrdreg s24  }
0x19: {  	[dreg:$0x13] =	wrdreg s25;
	s11 =	simm.s32 $0x320;
	s15 =	simm.s32 $0x3200  }
.Ltmp0:
0x1a: {  	s10 =	simm.s32 $0x9600;
	s16 =	simm.s32 $0x1;
	(pc) =	sbr.rel @!p1 .LBB2_3-.Ltmp0, $4  }
0x1b: {  	s14 =	simm.s32 $0x2;
	s13 =	simm.s32 $0x3;
	s12 =	simm.s32 $0x4  }
0x1c: {  	s25 =	simm.s32 $0x15E0;
	s24 =	simm.s32 $0x1900;
	s22 =	simm.s32 $0x1F40  }
0x1d: {  	s21 =	simm.s32 $0x2260;
	s20 =	simm.s32 $0x2580;
	s19 =	simm.s32 $0x28A0  }
0x1e: {  	s18 =	simm.s32 $0x2BC0;
	s17 =	simm.s32 $0x2EE0;
	s0 =	rddreg [dreg:$0x3]  }
0x1f: {  	[tilespmem:s2], [sflag:$0x9] =	stream.linear.gather [hbm4b:s0+s2], $0x3200, $0x38;
	[tilespmem:$0x1C200] =	vst v63  }
0x20: {  	_ =	swait.ge [sflag:s31], $0x3200  }
0x21: {  	[sflag:s31] =	ssyncset.done $0x0  }
0x22: {  	[sflag:s31] =	ssyncadd.s32 $0xFFFFCE00  }
0x23: {  	[tilespmem:s15], [sflag:$0x1] =	stream.indirect.gather [hbm4b:s9+s11], $0x20, s2, s11, $0xb8;
	[tilespmem:$0x1C200] =	vst v63  }
0x24: {  	_ = 	snop  }
0x25: {  	[tilespmem:s10], [sflag:$0x2] =	stream.indirect.gather [hbm4b:s9+s11], $0x20, s11, s11, $0xb8;
	[tilespmem:$0x1C200] =	vst v63  }
0x26: {  	s0 =	rddreg [dreg:$0x14]  }
0x27: {  	[tilespmem:s8], [sflag:$0x3] =	stream.indirect.gather [hbm4b:s9+s11], $0x20, s0, s11, $0xb8;
	[tilespmem:$0x1C200] =	vst v63  }
0x28: {  	_ =	swait.ge [sflag:s16], $0x6400  }
0x29: {  	[sflag:s16] =	ssyncset.done $0x0  }
0x2a: {  	s0 =	rddreg [dreg:$0x4];
	[sflag:s16] =	ssyncadd.s32 $0xFFFF9C00  }
0x2b: {  	[hbm4b:s0+s2] =	stream.linear.scatter [tilespmem:s15], [sflag:$0x5], $0x6400, $0x38;
	[tilespmem:$0x1C200] =	vst v63  }
0x2c: {  	_ = 	snop  }
0x2d: {  	[tilespmem:s7], [sflag:$0x4] =	stream.indirect.gather [hbm4b:s9+s11], $0x20, s30, s11, $0xb8;
	[tilespmem:$0x1C200] =	vst v63  }
0x2e: {  	_ =	swait.ge [sflag:s14], $0x6400  }
0x2f: {  	[sflag:s14] =	ssyncset.done $0x0  }
0x30: {  	s0 =	rddreg [dreg:$0x5];
	[sflag:s14] =	ssyncadd.s32 $0xFFFF9C00  }
0x31: {  	[hbm4b:s0+s2] =	stream.linear.scatter [tilespmem:s10], [sflag:$0x6], $0x6400, $0x38;
	[tilespmem:$0x1C200] =	vst v63  }
0x32: {  	_ =	swait.ge [sflag:s4], $0x6400  }
0x33: {  	[sflag:s4] =	ssyncset.done $0x0  }
0x34: {  	[sflag:s4] =	ssyncadd.s32 $0xFFFF9C00  }
0x35: {  	[tilespmem:s15], [sflag:$0x1] =	stream.indirect.gather [hbm4b:s9+s11], $0x20, s29, s11, $0xb8;
	[tilespmem:$0x1C200] =	vst v63  }
0x36: {  	_ =	swait.ge [sflag:s13], $0x6400  }
0x37: {  	[sflag:s13] =	ssyncset.done $0x0  }
0x38: {  	s0 =	rddreg [dreg:$0x6];
	[sflag:s13] =	ssyncadd.s32 $0xFFFF9C00  }
0x39: {  	[hbm4b:s0+s2] =	stream.linear.scatter [tilespmem:s8], [sflag:$0x7], $0x6400, $0x38;
	[tilespmem:$0x1C200] =	vst v63  }
0x3a: {  	_ =	swait.ge [sflag:s5], $0x6400  }
0x3b: {  	[sflag:s5] =	ssyncset.done $0x0  }
0x3c: {  	[sflag:s5] =	ssyncadd.s32 $0xFFFF9C00  }
0x3d: {  	[tilespmem:s10], [sflag:$0x2] =	stream.indirect.gather [hbm4b:s9+s11], $0x20, s28, s11, $0xb8;
	[tilespmem:$0x1C200] =	vst v63  }
0x3e: {  	_ =	swait.ge [sflag:s12], $0x6400  }
0x3f: {  	[sflag:s12] =	ssyncset.done $0x0  }
0x40: {  	s0 =	rddreg [dreg:$0x7];
	[sflag:s12] =	ssyncadd.s32 $0xFFFF9C00  }
0x41: {  	[hbm4b:s0+s2] =	stream.linear.scatter [tilespmem:s7], [sflag:$0x8], $0x6400, $0x38;
	[tilespmem:$0x1C200] =	vst v63  }
0x42: {  	_ =	swait.ge [sflag:s6], $0x6400  }
0x43: {  	[sflag:s6] =	ssyncset.done $0x0  }
0x44: {  	[sflag:s6] =	ssyncadd.s32 $0xFFFF9C00  }
0x45: {  	[tilespmem:s8], [sflag:$0x3] =	stream.indirect.gather [hbm4b:s9+s11], $0x20, s26, s11, $0xb8;
	[tilespmem:$0x1C200] =	vst v63  }
0x46: {  	_ =	swait.ge [sflag:s16], $0x6400  }
0x47: {  	[sflag:s16] =	ssyncset.done $0x0  }
0x48: {  	s0 =	rddreg [dreg:$0x8];
	[sflag:s16] =	ssyncadd.s32 $0xFFFF9C00  }
0x49: {  	[hbm4b:s0+s2] =	stream.linear.scatter [tilespmem:s15], [sflag:$0x5], $0x6400, $0x38;
	[tilespmem:$0x1C200] =	vst v63  }
0x4a: {  	_ =	swait.ge [sflag:s3], $0x6400  }
0x4b: {  	[sflag:s3] =	ssyncset.done $0x0  }
0x4c: {  	[sflag:s3] =	ssyncadd.s32 $0xFFFF9C00  }
0x4d: {  	[tilespmem:s7], [sflag:$0x4] =	stream.indirect.gather [hbm4b:s9+s11], $0x20, s25, s11, $0xb8;
	[tilespmem:$0x1C200] =	vst v63  }
0x4e: {  	_ =	swait.ge [sflag:s14], $0x6400  }
0x4f: {  	[sflag:s14] =	ssyncset.done $0x0  }
0x50: {  	s0 =	rddreg [dreg:$0x9];
	[sflag:s14] =	ssyncadd.s32 $0xFFFF9C00  }
0x51: {  	[hbm4b:s0+s2] =	stream.linear.scatter [tilespmem:s10], [sflag:$0x6], $0x6400, $0x38;
	[tilespmem:$0x1C200] =	vst v63  }
0x52: {  	_ =	swait.ge [sflag:s4], $0x6400  }
0x53: {  	[sflag:s4] =	ssyncset.done $0x0  }
0x54: {  	[sflag:s4] =	ssyncadd.s32 $0xFFFF9C00  }
0x55: {  	[tilespmem:s15], [sflag:$0x1] =	stream.indirect.gather [hbm4b:s9+s11], $0x20, s24, s11, $0xb8;
	[tilespmem:$0x1C200] =	vst v63  }
0x56: {  	_ =	swait.ge [sflag:s13], $0x6400  }
0x57: {  	[sflag:s13] =	ssyncset.done $0x0  }
0x58: {  	s0 =	rddreg [dreg:$0xa];
	[sflag:s13] =	ssyncadd.s32 $0xFFFF9C00  }
0x59: {  	[hbm4b:s0+s2] =	stream.linear.scatter [tilespmem:s8], [sflag:$0x7], $0x6400, $0x38;
	[tilespmem:$0x1C200] =	vst v63  }
0x5a: {  	_ =	swait.ge [sflag:s5], $0x6400  }
0x5b: {  	[sflag:s5] =	ssyncset.done $0x0  }
0x5c: {  	[sflag:s5] =	ssyncadd.s32 $0xFFFF9C00  }
0x5d: {  	[tilespmem:s10], [sflag:$0x2] =	stream.indirect.gather [hbm4b:s9+s11], $0x20, s23, s11, $0xb8;
	[tilespmem:$0x1C200] =	vst v63  }
0x5e: {  	_ =	swait.ge [sflag:s12], $0x6400  }
0x5f: {  	[sflag:s12] =	ssyncset.done $0x0  }
0x60: {  	s0 =	rddreg [dreg:$0xb];
	[sflag:s12] =	ssyncadd.s32 $0xFFFF9C00  }
0x61: {  	[hbm4b:s0+s2] =	stream.linear.scatter [tilespmem:s7], [sflag:$0x8], $0x6400, $0x38;
	[tilespmem:$0x1C200] =	vst v63  }
0x62: {  	_ =	swait.ge [sflag:s6], $0x6400  }
0x63: {  	[sflag:s6] =	ssyncset.done $0x0  }
0x64: {  	[sflag:s6] =	ssyncadd.s32 $0xFFFF9C00  }
0x65: {  	[tilespmem:s8], [sflag:$0x3] =	stream.indirect.gather [hbm4b:s9+s11], $0x20, s22, s11, $0xb8;
	[tilespmem:$0x1C200] =	vst v63  }
0x66: {  	_ =	swait.ge [sflag:s16], $0x6400  }
0x67: {  	[sflag:s16] =	ssyncset.done $0x0  }
0x68: {  	s0 =	rddreg [dreg:$0xc];
	[sflag:s16] =	ssyncadd.s32 $0xFFFF9C00  }
0x69: {  	[hbm4b:s0+s2] =	stream.linear.scatter [tilespmem:s15], [sflag:$0x5], $0x6400, $0x38;
	[tilespmem:$0x1C200] =	vst v63  }
0x6a: {  	_ =	swait.ge [sflag:s3], $0x6400  }
0x6b: {  	[sflag:s3] =	ssyncset.done $0x0  }
0x6c: {  	[sflag:s3] =	ssyncadd.s32 $0xFFFF9C00  }
0x6d: {  	[tilespmem:s7], [sflag:$0x4] =	stream.indirect.gather [hbm4b:s9+s11], $0x20, s21, s11, $0xb8;
	[tilespmem:$0x1C200] =	vst v63  }
0x6e: {  	_ =	swait.ge [sflag:s14], $0x6400  }
0x6f: {  	[sflag:s14] =	ssyncset.done $0x0  }
0x70: {  	s0 =	rddreg [dreg:$0xd];
	[sflag:s14] =	ssyncadd.s32 $0xFFFF9C00  }
0x71: {  	[hbm4b:s0+s2] =	stream.linear.scatter [tilespmem:s10], [sflag:$0x6], $0x6400, $0x38;
	[tilespmem:$0x1C200] =	vst v63  }
0x72: {  	_ =	swait.ge [sflag:s4], $0x6400  }
0x73: {  	[sflag:s4] =	ssyncset.done $0x0  }
0x74: {  	[sflag:s4] =	ssyncadd.s32 $0xFFFF9C00  }
0x75: {  	[tilespmem:s15], [sflag:$0x1] =	stream.indirect.gather [hbm4b:s9+s11], $0x20, s20, s11, $0xb8;
	[tilespmem:$0x1C200] =	vst v63  }
0x76: {  	_ =	swait.ge [sflag:s13], $0x6400  }
0x77: {  	[sflag:s13] =	ssyncset.done $0x0  }
0x78: {  	s0 =	rddreg [dreg:$0xe];
	[sflag:s13] =	ssyncadd.s32 $0xFFFF9C00  }
0x79: {  	[hbm4b:s0+s2] =	stream.linear.scatter [tilespmem:s8], [sflag:$0x7], $0x6400, $0x38;
	[tilespmem:$0x1C200] =	vst v63  }
0x7a: {  	_ =	swait.ge [sflag:s5], $0x6400  }
0x7b: {  	[sflag:s5] =	ssyncset.done $0x0  }
0x7c: {  	[sflag:s5] =	ssyncadd.s32 $0xFFFF9C00  }
0x7d: {  	[tilespmem:s10], [sflag:$0x2] =	stream.indirect.gather [hbm4b:s9+s11], $0x20, s19, s11, $0xb8;
	[tilespmem:$0x1C200] =	vst v63  }
0x7e: {  	_ =	swait.ge [sflag:s12], $0x6400  }
0x7f: {  	[sflag:s12] =	ssyncset.done $0x0  }
0x80: {  	s0 =	rddreg [dreg:$0xf];
	[sflag:s12] =	ssyncadd.s32 $0xFFFF9C00  }
0x81: {  	[hbm4b:s0+s2] =	stream.linear.scatter [tilespmem:s7], [sflag:$0x8], $0x6400, $0x38;
	[tilespmem:$0x1C200] =	vst v63  }
0x82: {  	_ =	swait.ge [sflag:s6], $0x6400  }
0x83: {  	[sflag:s6] =	ssyncset.done $0x0  }
0x84: {  	[sflag:s6] =	ssyncadd.s32 $0xFFFF9C00  }
0x85: {  	[tilespmem:s8], [sflag:$0x3] =	stream.indirect.gather [hbm4b:s9+s11], $0x20, s18, s11, $0xb8;
	[tilespmem:$0x1C200] =	vst v63  }
0x86: {  	_ =	swait.ge [sflag:s16], $0x6400  }
0x87: {  	[sflag:s16] =	ssyncset.done $0x0  }
0x88: {  	s0 =	rddreg [dreg:$0x10];
	[sflag:s16] =	ssyncadd.s32 $0xFFFF9C00  }
0x89: {  	[hbm4b:s0+s2] =	stream.linear.scatter [tilespmem:s15], [sflag:$0x5], $0x6400, $0x38;
	[tilespmem:$0x1C200] =	vst v63  }
0x8a: {  	_ =	swait.ge [sflag:s3], $0x6400  }
0x8b: {  	[sflag:s3] =	ssyncset.done $0x0  }
0x8c: {  	[sflag:s3] =	ssyncadd.s32 $0xFFFF9C00  }
0x8d: {  	[tilespmem:s7], [sflag:$0x4] =	stream.indirect.gather [hbm4b:s9+s11], $0x20, s17, s11, $0xb8;
	[tilespmem:$0x1C200] =	vst v63  }
0x8e: {  	_ =	swait.ge [sflag:s14], $0x6400  }
0x8f: {  	[sflag:s14] =	ssyncset.done $0x0  }
0x90: {  	s0 =	rddreg [dreg:$0x11];
	[sflag:s14] =	ssyncadd.s32 $0xFFFF9C00  }
0x91: {  	[hbm4b:s0+s2] =	stream.linear.scatter [tilespmem:s10], [sflag:$0x6], $0x6400, $0x38;
	[tilespmem:$0x1C200] =	vst v63  }
0x92: {  	_ =	swait.ge [sflag:s13], $0x6400  }
0x93: {  	[sflag:s13] =	ssyncset.done $0x0  }
0x94: {  	s0 =	rddreg [dreg:$0x12];
	[sflag:s13] =	ssyncadd.s32 $0xFFFF9C00  }
0x95: {  	[hbm4b:s0+s2] =	stream.linear.scatter [tilespmem:s8], [sflag:$0x7], $0x6400, $0x38;
	[tilespmem:$0x1C200] =	vst v63  }
0x96: {  	_ =	swait.ge [sflag:s12], $0x6400  }
0x97: {  	[sflag:s12] =	ssyncset.done $0x0  }
0x98: {  	s0 =	rddreg [dreg:$0x13];
	[sflag:s12] =	ssyncadd.s32 $0xFFFF9C00  }
0x99: {  	[hbm4b:s0+s2] =	stream.linear.scatter [tilespmem:s7], [sflag:$0x8], $0x6400, $0x38;
	[tilespmem:$0x1C200] =	vst v63  }
0x9a: {  	_ =	swait.ge [sflag:s4], $0x6400  }
0x9b: {  	[sflag:s4] =	ssyncset.done $0x0  }
0x9c: {  	[sflag:s4] =	ssyncadd.s32 $0xFFFF9C00  }
0x9d: {  	_ =	swait.ge [sflag:s5], $0x6400  }
0x9e: {  	[sflag:s5] =	ssyncset.done $0x0  }
0x9f: {  	p1 =	sne.s32 s1, $0x1;
	[sflag:s5] =	ssyncadd.s32 $0xFFFF9C00  }
.Ltmp1:
0xa0: {  	_ =	swait.ge [sflag:s6], $0x6400;
	(pc) =	sbr.rel @!p1 .LBB2_3-.Ltmp1, $4  }
0xa1: {  	[sflag:s6] =	ssyncset.done $0x0  }
0xa2: {  	[sflag:s6] =	ssyncadd.s32 $0xFFFF9C00  }
0xa3: {  	s1 =	sadd.s32 $0xFFFFFFFF, s1;
	_ =	swait.ge [sflag:s3], $0x6400  }
0xa4: {  	p0 =	por $0x1, $0x1;
	s0 =	rddreg [dreg:$0x3];
	[sflag:s3] =	ssyncset.done $0x0  }
.LBB2_2:
0xa5: {  	[sflag:s3] =	ssyncadd.s32 $0xFFFF9C00  }
0xa6: {  	[tilespmem:s2], [sflag:$0x9] =	stream.linear.gather [hbm4b:s0+s2], $0x3200, $0x38;
	[tilespmem:$0x1C200] =	vst v63  }
0xa7: {  	_ =	swait.ge [sflag:s31], $0x3200  }
0xa8: {  	[sflag:s31] =	ssyncset.done $0x0  }
0xa9: {  	[sflag:s31] =	ssyncadd.s32 $0xFFFFCE00  }
0xaa: {  	[tilespmem:s15], [sflag:$0x1] =	stream.indirect.gather [hbm4b:s9+s11], $0x20, s2, s11, $0xb8;
	[tilespmem:$0x1C200] =	vst v63  }
0xab: {  	_ = 	snop  }
0xac: {  	[tilespmem:s10], [sflag:$0x2] =	stream.indirect.gather [hbm4b:s9+s11], $0x20, s11, s11, $0xb8;
	[tilespmem:$0x1C200] =	vst v63  }
0xad: {  	s0 =	rddreg [dreg:$0x14]  }
0xae: {  	[tilespmem:s8], [sflag:$0x3] =	stream.indirect.gather [hbm4b:s9+s11], $0x20, s0, s11, $0xb8;
	[tilespmem:$0x1C200] =	vst v63  }
0xaf: {  	_ =	swait.ge [sflag:s16], $0x6400  }
0xb0: {  	[sflag:s16] =	ssyncset.done $0x0  }
0xb1: {  	s0 =	rddreg [dreg:$0x4];
	[sflag:s16] =	ssyncadd.s32 $0xFFFF9C00  }
0xb2: {  	[hbm4b:s0+s2] =	stream.linear.scatter [tilespmem:s15], [sflag:$0x5], $0x6400, $0x38;
	[tilespmem:$0x1C200] =	vst v63  }
0xb3: {  	_ = 	snop  }
0xb4: {  	[tilespmem:s7], [sflag:$0x4] =	stream.indirect.gather [hbm4b:s9+s11], $0x20, s30, s11, $0xb8;
	[tilespmem:$0x1C200] =	vst v63  }
0xb5: {  	_ =	swait.ge [sflag:s14], $0x6400  }
0xb6: {  	[sflag:s14] =	ssyncset.done $0x0  }
0xb7: {  	s0 =	rddreg [dreg:$0x5];
	[sflag:s14] =	ssyncadd.s32 $0xFFFF9C00  }
0xb8: {  	[hbm4b:s0+s2] =	stream.linear.scatter [tilespmem:s10], [sflag:$0x6], $0x6400, $0x38;
	[tilespmem:$0x1C200] =	vst v63  }
0xb9: {  	_ =	swait.ge [sflag:s4], $0x6400  }
0xba: {  	[sflag:s4] =	ssyncset.done $0x0  }
0xbb: {  	[sflag:s4] =	ssyncadd.s32 $0xFFFF9C00  }
0xbc: {  	[tilespmem:s15], [sflag:$0x1] =	stream.indirect.gather [hbm4b:s9+s11], $0x20, s29, s11, $0xb8;
	[tilespmem:$0x1C200] =	vst v63  }
0xbd: {  	_ =	swait.ge [sflag:s13], $0x6400  }
0xbe: {  	[sflag:s13] =	ssyncset.done $0x0  }
0xbf: {  	s0 =	rddreg [dreg:$0x6];
	[sflag:s13] =	ssyncadd.s32 $0xFFFF9C00  }
0xc0: {  	[hbm4b:s0+s2] =	stream.linear.scatter [tilespmem:s8], [sflag:$0x7], $0x6400, $0x38;
	[tilespmem:$0x1C200] =	vst v63  }
0xc1: {  	_ =	swait.ge [sflag:s5], $0x6400  }
0xc2: {  	[sflag:s5] =	ssyncset.done $0x0  }
0xc3: {  	[sflag:s5] =	ssyncadd.s32 $0xFFFF9C00  }
0xc4: {  	[tilespmem:s10], [sflag:$0x2] =	stream.indirect.gather [hbm4b:s9+s11], $0x20, s28, s11, $0xb8;
	[tilespmem:$0x1C200] =	vst v63  }
0xc5: {  	_ =	swait.ge [sflag:s12], $0x6400  }
0xc6: {  	[sflag:s12] =	ssyncset.done $0x0  }
0xc7: {  	s0 =	rddreg [dreg:$0x7];
	[sflag:s12] =	ssyncadd.s32 $0xFFFF9C00  }
0xc8: {  	[hbm4b:s0+s2] =	stream.linear.scatter [tilespmem:s7], [sflag:$0x8], $0x6400, $0x38;
	[tilespmem:$0x1C200] =	vst v63  }
0xc9: {  	_ =	swait.ge [sflag:s6], $0x6400  }
0xca: {  	[sflag:s6] =	ssyncset.done $0x0  }
0xcb: {  	[sflag:s6] =	ssyncadd.s32 $0xFFFF9C00  }
0xcc: {  	[tilespmem:s8], [sflag:$0x3] =	stream.indirect.gather [hbm4b:s9+s11], $0x20, s26, s11, $0xb8;
	[tilespmem:$0x1C200] =	vst v63  }
0xcd: {  	_ =	swait.ge [sflag:s16], $0x6400  }
0xce: {  	[sflag:s16] =	ssyncset.done $0x0  }
0xcf: {  	s0 =	rddreg [dreg:$0x8];
	[sflag:s16] =	ssyncadd.s32 $0xFFFF9C00  }
0xd0: {  	[hbm4b:s0+s2] =	stream.linear.scatter [tilespmem:s15], [sflag:$0x5], $0x6400, $0x38;
	[tilespmem:$0x1C200] =	vst v63  }
0xd1: {  	_ =	swait.ge [sflag:s3], $0x6400  }
0xd2: {  	[sflag:s3] =	ssyncset.done $0x0  }
0xd3: {  	[sflag:s3] =	ssyncadd.s32 $0xFFFF9C00  }
0xd4: {  	[tilespmem:s7], [sflag:$0x4] =	stream.indirect.gather [hbm4b:s9+s11], $0x20, s25, s11, $0xb8;
	[tilespmem:$0x1C200] =	vst v63  }
0xd5: {  	_ =	swait.ge [sflag:s14], $0x6400  }
0xd6: {  	[sflag:s14] =	ssyncset.done $0x0  }
0xd7: {  	s0 =	rddreg [dreg:$0x9];
	[sflag:s14] =	ssyncadd.s32 $0xFFFF9C00  }
0xd8: {  	[hbm4b:s0+s2] =	stream.linear.scatter [tilespmem:s10], [sflag:$0x6], $0x6400, $0x38;
	[tilespmem:$0x1C200] =	vst v63  }
0xd9: {  	_ =	swait.ge [sflag:s4], $0x6400  }
0xda: {  	[sflag:s4] =	ssyncset.done $0x0  }
0xdb: {  	[sflag:s4] =	ssyncadd.s32 $0xFFFF9C00  }
0xdc: {  	[tilespmem:s15], [sflag:$0x1] =	stream.indirect.gather [hbm4b:s9+s11], $0x20, s24, s11, $0xb8;
	[tilespmem:$0x1C200] =	vst v63  }
0xdd: {  	_ =	swait.ge [sflag:s13], $0x6400  }
0xde: {  	[sflag:s13] =	ssyncset.done $0x0  }
0xdf: {  	s0 =	rddreg [dreg:$0xa];
	[sflag:s13] =	ssyncadd.s32 $0xFFFF9C00  }
0xe0: {  	[hbm4b:s0+s2] =	stream.linear.scatter [tilespmem:s8], [sflag:$0x7], $0x6400, $0x38;
	[tilespmem:$0x1C200] =	vst v63  }
0xe1: {  	_ =	swait.ge [sflag:s5], $0x6400  }
0xe2: {  	[sflag:s5] =	ssyncset.done $0x0  }
0xe3: {  	[sflag:s5] =	ssyncadd.s32 $0xFFFF9C00  }
0xe4: {  	[tilespmem:s10], [sflag:$0x2] =	stream.indirect.gather [hbm4b:s9+s11], $0x20, s23, s11, $0xb8;
	[tilespmem:$0x1C200] =	vst v63  }
0xe5: {  	_ =	swait.ge [sflag:s12], $0x6400  }
0xe6: {  	[sflag:s12] =	ssyncset.done $0x0  }
0xe7: {  	s0 =	rddreg [dreg:$0xb];
	[sflag:s12] =	ssyncadd.s32 $0xFFFF9C00  }
0xe8: {  	[hbm4b:s0+s2] =	stream.linear.scatter [tilespmem:s7], [sflag:$0x8], $0x6400, $0x38;
	[tilespmem:$0x1C200] =	vst v63  }
0xe9: {  	_ =	swait.ge [sflag:s6], $0x6400  }
0xea: {  	[sflag:s6] =	ssyncset.done $0x0  }
0xeb: {  	[sflag:s6] =	ssyncadd.s32 $0xFFFF9C00  }
0xec: {  	[tilespmem:s8], [sflag:$0x3] =	stream.indirect.gather [hbm4b:s9+s11], $0x20, s22, s11, $0xb8;
	[tilespmem:$0x1C200] =	vst v63  }
0xed: {  	_ =	swait.ge [sflag:s16], $0x6400  }
0xee: {  	[sflag:s16] =	ssyncset.done $0x0  }
0xef: {  	s0 =	rddreg [dreg:$0xc];
	[sflag:s16] =	ssyncadd.s32 $0xFFFF9C00  }
0xf0: {  	[hbm4b:s0+s2] =	stream.linear.scatter [tilespmem:s15], [sflag:$0x5], $0x6400, $0x38;
	[tilespmem:$0x1C200] =	vst v63  }
0xf1: {  	_ =	swait.ge [sflag:s3], $0x6400  }
0xf2: {  	[sflag:s3] =	ssyncset.done $0x0  }
0xf3: {  	[sflag:s3] =	ssyncadd.s32 $0xFFFF9C00  }
0xf4: {  	[tilespmem:s7], [sflag:$0x4] =	stream.indirect.gather [hbm4b:s9+s11], $0x20, s21, s11, $0xb8;
	[tilespmem:$0x1C200] =	vst v63  }
0xf5: {  	_ =	swait.ge [sflag:s14], $0x6400  }
0xf6: {  	[sflag:s14] =	ssyncset.done $0x0  }
0xf7: {  	s0 =	rddreg [dreg:$0xd];
	[sflag:s14] =	ssyncadd.s32 $0xFFFF9C00  }
0xf8: {  	[hbm4b:s0+s2] =	stream.linear.scatter [tilespmem:s10], [sflag:$0x6], $0x6400, $0x38;
	[tilespmem:$0x1C200] =	vst v63  }
0xf9: {  	_ =	swait.ge [sflag:s4], $0x6400  }
0xfa: {  	[sflag:s4] =	ssyncset.done $0x0  }
0xfb: {  	[sflag:s4] =	ssyncadd.s32 $0xFFFF9C00  }
0xfc: {  	[tilespmem:s15], [sflag:$0x1] =	stream.indirect.gather [hbm4b:s9+s11], $0x20, s20, s11, $0xb8;
	[tilespmem:$0x1C200] =	vst v63  }
0xfd: {  	_ =	swait.ge [sflag:s13], $0x6400  }
0xfe: {  	[sflag:s13] =	ssyncset.done $0x0  }
0xff: {  	s0 =	rddreg [dreg:$0xe];
	[sflag:s13] =	ssyncadd.s32 $0xFFFF9C00  }
0x100: {  	[hbm4b:s0+s2] =	stream.linear.scatter [tilespmem:s8], [sflag:$0x7], $0x6400, $0x38;
	[tilespmem:$0x1C200] =	vst v63  }
0x101: {  	_ =	swait.ge [sflag:s5], $0x6400  }
0x102: {  	[sflag:s5] =	ssyncset.done $0x0  }
0x103: {  	[sflag:s5] =	ssyncadd.s32 $0xFFFF9C00  }
0x104: {  	[tilespmem:s10], [sflag:$0x2] =	stream.indirect.gather [hbm4b:s9+s11], $0x20, s19, s11, $0xb8;
	[tilespmem:$0x1C200] =	vst v63  }
0x105: {  	_ =	swait.ge [sflag:s12], $0x6400  }
0x106: {  	[sflag:s12] =	ssyncset.done $0x0  }
0x107: {  	s0 =	rddreg [dreg:$0xf];
	[sflag:s12] =	ssyncadd.s32 $0xFFFF9C00  }
0x108: {  	[hbm4b:s0+s2] =	stream.linear.scatter [tilespmem:s7], [sflag:$0x8], $0x6400, $0x38;
	[tilespmem:$0x1C200] =	vst v63  }
0x109: {  	_ =	swait.ge [sflag:s6], $0x6400  }
0x10a: {  	[sflag:s6] =	ssyncset.done $0x0  }
0x10b: {  	[sflag:s6] =	ssyncadd.s32 $0xFFFF9C00  }
0x10c: {  	[tilespmem:s8], [sflag:$0x3] =	stream.indirect.gather [hbm4b:s9+s11], $0x20, s18, s11, $0xb8;
	[tilespmem:$0x1C200] =	vst v63  }
0x10d: {  	_ =	swait.ge [sflag:s16], $0x6400  }
0x10e: {  	[sflag:s16] =	ssyncset.done $0x0  }
0x10f: {  	s0 =	rddreg [dreg:$0x10];
	[sflag:s16] =	ssyncadd.s32 $0xFFFF9C00  }
0x110: {  	[hbm4b:s0+s2] =	stream.linear.scatter [tilespmem:s15], [sflag:$0x5], $0x6400, $0x38;
	[tilespmem:$0x1C200] =	vst v63  }
0x111: {  	_ =	swait.ge [sflag:s3], $0x6400  }
0x112: {  	[sflag:s3] =	ssyncset.done $0x0  }
0x113: {  	[sflag:s3] =	ssyncadd.s32 $0xFFFF9C00  }
0x114: {  	[tilespmem:s7], [sflag:$0x4] =	stream.indirect.gather [hbm4b:s9+s11], $0x20, s17, s11, $0xb8;
	[tilespmem:$0x1C200] =	vst v63  }
0x115: {  	_ =	swait.ge [sflag:s14], $0x6400  }
0x116: {  	[sflag:s14] =	ssyncset.done $0x0  }
0x117: {  	s0 =	rddreg [dreg:$0x11];
	[sflag:s14] =	ssyncadd.s32 $0xFFFF9C00  }
0x118: {  	[hbm4b:s0+s2] =	stream.linear.scatter [tilespmem:s10], [sflag:$0x6], $0x6400, $0x38;
	[tilespmem:$0x1C200] =	vst v63  }
0x119: {  	_ =	swait.ge [sflag:s13], $0x6400  }
0x11a: {  	[sflag:s13] =	ssyncset.done $0x0  }
0x11b: {  	s0 =	rddreg [dreg:$0x12];
	[sflag:s13] =	ssyncadd.s32 $0xFFFF9C00  }
0x11c: {  	[hbm4b:s0+s2] =	stream.linear.scatter [tilespmem:s8], [sflag:$0x7], $0x6400, $0x38;
	[tilespmem:$0x1C200] =	vst v63  }
0x11d: {  	_ =	swait.ge [sflag:s12], $0x6400  }
0x11e: {  	[sflag:s12] =	ssyncset.done $0x0  }
0x11f: {  	s0 =	rddreg [dreg:$0x13];
	[sflag:s12] =	ssyncadd.s32 $0xFFFF9C00  }
0x120: {  	[hbm4b:s0+s2] =	stream.linear.scatter [tilespmem:s7], [sflag:$0x8], $0x6400, $0x38;
	[tilespmem:$0x1C200] =	vst v63  }
0x121: {  	_ =	swait.ge [sflag:s4], $0x6400  }
0x122: {  	[sflag:s4] =	ssyncset.done $0x0  }
0x123: {  	[sflag:s4] =	ssyncadd.s32 $0xFFFF9C00  }
0x124: {  	_ =	swait.ge [sflag:s5], $0x6400  }
0x125: {  	[sflag:s5] =	ssyncset.done $0x0  }
0x126: {  	p1 =	sne.s32 s1, $0x1;
	[sflag:s5] =	ssyncadd.s32 $0xFFFF9C00  }
.Ltmp2:
0x127: {  	_ =	swait.ge [sflag:s6], $0x6400;
	(pc) =	sbr.rel @p1 .LBB2_2-.Ltmp2, $4  }
0x128: {  	[sflag:s6] =	ssyncset.done $0x0  }
0x129: {  	[sflag:s6] =	ssyncadd.s32 $0xFFFF9C00  }
0x12a: {  	_ =	swait.ge [sflag:s3], $0x6400  }
0x12b: {  	s1 =	sadd.s32 $0xFFFFFFFF, s1;
	s0 =	rddreg [dreg:$0x3];
	[sflag:s3] =	ssyncset.done $0x0  }
.LBB2_3:
0x12c: {  	[sflag:s3] =	ssyncadd.s32 @p0 $0xFFFF9C00  }
0x12d: {  	[tilespmem:s2], [sflag:$0x9] =	stream.linear.gather [hbm4b:s0+s2], $0x3200, $0x38;
	[tilespmem:$0x1C200] =	vst v63  }
0x12e: {  	_ =	swait.ge [sflag:s31], $0x3200  }
0x12f: {  	[sflag:s31] =	ssyncset.done $0x0  }
0x130: {  	[sflag:s31] =	ssyncadd.s32 $0xFFFFCE00  }
0x131: {  	[tilespmem:s15], [sflag:$0x1] =	stream.indirect.gather [hbm4b:s9+s11], $0x20, s2, s11, $0xb8;
	[tilespmem:$0x1C200] =	vst v63  }
0x132: {  	_ = 	snop  }
0x133: {  	[tilespmem:s10], [sflag:$0x2] =	stream.indirect.gather [hbm4b:s9+s11], $0x20, s11, s11, $0xb8;
	[tilespmem:$0x1C200] =	vst v63  }
0x134: {  	s31 =	rddreg [dreg:$0x14]  }
0x135: {  	[tilespmem:s8], [sflag:$0x3] =	stream.indirect.gather [hbm4b:s9+s11], $0x20, s31, s11, $0xb8;
	[tilespmem:$0x1C200] =	vst v63  }
0x136: {  	_ =	swait.ge [sflag:s16], $0x6400  }
0x137: {  	[sflag:s16] =	ssyncset.done $0x0  }
0x138: {  	s1 =	rddreg [dreg:$0x4];
	[sflag:s16] =	ssyncadd.s32 $0xFFFF9C00  }
0x139: {  	[hbm4b:s1+s2] =	stream.linear.scatter [tilespmem:s15], [sflag:$0x5], $0x6400, $0x38;
	[tilespmem:$0x1C200] =	vst v63  }
0x13a: {  	_ = 	snop  }
0x13b: {  	[tilespmem:s7], [sflag:$0x4] =	stream.indirect.gather [hbm4b:s9+s11], $0x20, s30, s11, $0xb8;
	[tilespmem:$0x1C200] =	vst v63  }
0x13c: {  	_ =	swait.ge [sflag:s14], $0x6400  }
0x13d: {  	[sflag:s14] =	ssyncset.done $0x0  }
0x13e: {  	s31 =	rddreg [dreg:$0x5];
	[sflag:s14] =	ssyncadd.s32 $0xFFFF9C00  }
0x13f: {  	[hbm4b:s31+s2] =	stream.linear.scatter [tilespmem:s10], [sflag:$0x6], $0x6400, $0x38;
	[tilespmem:$0x1C200] =	vst v63  }
0x140: {  	_ =	swait.ge [sflag:s4], $0x6400  }
0x141: {  	[sflag:s4] =	ssyncset.done $0x0  }
0x142: {  	[sflag:s4] =	ssyncadd.s32 $0xFFFF9C00  }
0x143: {  	[tilespmem:s15], [sflag:$0x1] =	stream.indirect.gather [hbm4b:s9+s11], $0x20, s29, s11, $0xb8;
	[tilespmem:$0x1C200] =	vst v63  }
0x144: {  	_ =	swait.ge [sflag:s13], $0x6400  }
0x145: {  	[sflag:s13] =	ssyncset.done $0x0  }
0x146: {  	s1 =	rddreg [dreg:$0x6];
	[sflag:s13] =	ssyncadd.s32 $0xFFFF9C00  }
0x147: {  	[hbm4b:s1+s2] =	stream.linear.scatter [tilespmem:s8], [sflag:$0x7], $0x6400, $0x38;
	[tilespmem:$0x1C200] =	vst v63  }
0x148: {  	_ =	swait.ge [sflag:s5], $0x6400  }
0x149: {  	[sflag:s5] =	ssyncset.done $0x0  }
0x14a: {  	[sflag:s5] =	ssyncadd.s32 $0xFFFF9C00  }
0x14b: {  	[tilespmem:s10], [sflag:$0x2] =	stream.indirect.gather [hbm4b:s9+s11], $0x20, s28, s11, $0xb8;
	[tilespmem:$0x1C200] =	vst v63  }
0x14c: {  	_ =	swait.ge [sflag:s12], $0x6400  }
0x14d: {  	[sflag:s12] =	ssyncset.done $0x0  }
0x14e: {  	s28 =	rddreg [dreg:$0x7];
	[sflag:s12] =	ssyncadd.s32 $0xFFFF9C00  }
0x14f: {  	[hbm4b:s28+s2] =	stream.linear.scatter [tilespmem:s7], [sflag:$0x8], $0x6400, $0x38;
	[tilespmem:$0x1C200] =	vst v63  }
0x150: {  	_ =	swait.ge [sflag:s6], $0x6400  }
0x151: {  	[sflag:s6] =	ssyncset.done $0x0  }
0x152: {  	[sflag:s6] =	ssyncadd.s32 $0xFFFF9C00  }
0x153: {  	[tilespmem:s8], [sflag:$0x3] =	stream.indirect.gather [hbm4b:s9+s11], $0x20, s26, s11, $0xb8;
	[tilespmem:$0x1C200] =	vst v63  }
0x154: {  	_ =	swait.ge [sflag:s16], $0x6400  }
0x155: {  	[sflag:s16] =	ssyncset.done $0x0  }
0x156: {  	s29 =	rddreg [dreg:$0x8];
	[sflag:s16] =	ssyncadd.s32 $0xFFFF9C00  }
0x157: {  	[hbm4b:s29+s2] =	stream.linear.scatter [tilespmem:s15], [sflag:$0x5], $0x6400, $0x38;
	[tilespmem:$0x1C200] =	vst v63  }
0x158: {  	_ =	swait.ge [sflag:s3], $0x6400  }
0x159: {  	[sflag:s3] =	ssyncset.done $0x0  }
0x15a: {  	[sflag:s3] =	ssyncadd.s32 $0xFFFF9C00  }
0x15b: {  	[tilespmem:s7], [sflag:$0x4] =	stream.indirect.gather [hbm4b:s9+s11], $0x20, s25, s11, $0xb8;
	[tilespmem:$0x1C200] =	vst v63  }
0x15c: {  	_ =	swait.ge [sflag:s14], $0x6400  }
0x15d: {  	[sflag:s14] =	ssyncset.done $0x0  }
0x15e: {  	s30 =	rddreg [dreg:$0x9];
	[sflag:s14] =	ssyncadd.s32 $0xFFFF9C00  }
0x15f: {  	[hbm4b:s30+s2] =	stream.linear.scatter [tilespmem:s10], [sflag:$0x6], $0x6400, $0x38;
	[tilespmem:$0x1C200] =	vst v63  }
0x160: {  	_ =	swait.ge [sflag:s4], $0x6400  }
0x161: {  	[sflag:s4] =	ssyncset.done $0x0  }
0x162: {  	[sflag:s4] =	ssyncadd.s32 $0xFFFF9C00  }
0x163: {  	[tilespmem:s15], [sflag:$0x1] =	stream.indirect.gather [hbm4b:s9+s11], $0x20, s24, s11, $0xb8;
	[tilespmem:$0x1C200] =	vst v63  }
0x164: {  	_ =	swait.ge [sflag:s13], $0x6400  }
0x165: {  	[sflag:s13] =	ssyncset.done $0x0  }
0x166: {  	s31 =	rddreg [dreg:$0xa];
	[sflag:s13] =	ssyncadd.s32 $0xFFFF9C00  }
0x167: {  	[hbm4b:s31+s2] =	stream.linear.scatter [tilespmem:s8], [sflag:$0x7], $0x6400, $0x38;
	[tilespmem:$0x1C200] =	vst v63  }
0x168: {  	_ =	swait.ge [sflag:s5], $0x6400  }
0x169: {  	[sflag:s5] =	ssyncset.done $0x0  }
0x16a: {  	[sflag:s5] =	ssyncadd.s32 $0xFFFF9C00  }
0x16b: {  	[tilespmem:s10], [sflag:$0x2] =	stream.indirect.gather [hbm4b:s9+s11], $0x20, s23, s11, $0xb8;
	[tilespmem:$0x1C200] =	vst v63  }
0x16c: {  	_ =	swait.ge [sflag:s12], $0x6400  }
0x16d: {  	[sflag:s12] =	ssyncset.done $0x0  }
0x16e: {  	s1 =	rddreg [dreg:$0xb];
	[sflag:s12] =	ssyncadd.s32 $0xFFFF9C00  }
0x16f: {  	[hbm4b:s1+s2] =	stream.linear.scatter [tilespmem:s7], [sflag:$0x8], $0x6400, $0x38;
	[tilespmem:$0x1C200] =	vst v63  }
0x170: {  	_ =	swait.ge [sflag:s6], $0x6400  }
0x171: {  	[sflag:s6] =	ssyncset.done $0x0  }
0x172: {  	[sflag:s6] =	ssyncadd.s32 $0xFFFF9C00  }
0x173: {  	[tilespmem:s8], [sflag:$0x3] =	stream.indirect.gather [hbm4b:s9+s11], $0x20, s22, s11, $0xb8;
	[tilespmem:$0x1C200] =	vst v63  }
0x174: {  	_ =	swait.ge [sflag:s16], $0x6400  }
0x175: {  	[sflag:s16] =	ssyncset.done $0x0  }
0x176: {  	s22 =	rddreg [dreg:$0xc];
	[sflag:s16] =	ssyncadd.s32 $0xFFFF9C00  }
0x177: {  	[hbm4b:s22+s2] =	stream.linear.scatter [tilespmem:s15], [sflag:$0x5], $0x6400, $0x38;
	[tilespmem:$0x1C200] =	vst v63  }
0x178: {  	_ =	swait.ge [sflag:s3], $0x6400  }
0x179: {  	[sflag:s3] =	ssyncset.done $0x0  }
0x17a: {  	[sflag:s3] =	ssyncadd.s32 $0xFFFF9C00  }
0x17b: {  	[tilespmem:s7], [sflag:$0x4] =	stream.indirect.gather [hbm4b:s9+s11], $0x20, s21, s11, $0xb8;
	[tilespmem:$0x1C200] =	vst v63  }
0x17c: {  	_ =	swait.ge [sflag:s14], $0x6400  }
0x17d: {  	[sflag:s14] =	ssyncset.done $0x0  }
0x17e: {  	s23 =	rddreg [dreg:$0xd];
	[sflag:s14] =	ssyncadd.s32 $0xFFFF9C00  }
0x17f: {  	[hbm4b:s23+s2] =	stream.linear.scatter [tilespmem:s10], [sflag:$0x6], $0x6400, $0x38;
	[tilespmem:$0x1C200] =	vst v63  }
0x180: {  	_ =	swait.ge [sflag:s4], $0x6400  }
0x181: {  	[sflag:s4] =	ssyncset.done $0x0  }
0x182: {  	[sflag:s4] =	ssyncadd.s32 $0xFFFF9C00  }
0x183: {  	[tilespmem:s15], [sflag:$0x1] =	stream.indirect.gather [hbm4b:s9+s11], $0x20, s20, s11, $0xb8;
	[tilespmem:$0x1C200] =	vst v63  }
0x184: {  	_ =	swait.ge [sflag:s13], $0x6400  }
0x185: {  	[sflag:s13] =	ssyncset.done $0x0  }
0x186: {  	s24 =	rddreg [dreg:$0xe];
	[sflag:s13] =	ssyncadd.s32 $0xFFFF9C00  }
0x187: {  	[hbm4b:s24+s2] =	stream.linear.scatter [tilespmem:s8], [sflag:$0x7], $0x6400, $0x38;
	[tilespmem:$0x1C200] =	vst v63  }
0x188: {  	_ =	swait.ge [sflag:s5], $0x6400  }
0x189: {  	[sflag:s5] =	ssyncset.done $0x0  }
0x18a: {  	[sflag:s5] =	ssyncadd.s32 $0xFFFF9C00  }
0x18b: {  	[tilespmem:s10], [sflag:$0x2] =	stream.indirect.gather [hbm4b:s9+s11], $0x20, s19, s11, $0xb8;
	[tilespmem:$0x1C200] =	vst v63  }
0x18c: {  	_ =	swait.ge [sflag:s12], $0x6400  }
0x18d: {  	[sflag:s12] =	ssyncset.done $0x0  }
0x18e: {  	s25 =	rddreg [dreg:$0xf];
	[sflag:s12] =	ssyncadd.s32 $0xFFFF9C00  }
0x18f: {  	[hbm4b:s25+s2] =	stream.linear.scatter [tilespmem:s7], [sflag:$0x8], $0x6400, $0x38;
	[tilespmem:$0x1C200] =	vst v63  }
0x190: {  	_ =	swait.ge [sflag:s6], $0x6400  }
0x191: {  	[sflag:s6] =	ssyncset.done $0x0  }
0x192: {  	[sflag:s6] =	ssyncadd.s32 $0xFFFF9C00  }
0x193: {  	[tilespmem:s8], [sflag:$0x3] =	stream.indirect.gather [hbm4b:s9+s11], $0x20, s18, s11, $0xb8;
	[tilespmem:$0x1C200] =	vst v63  }
0x194: {  	_ =	swait.ge [sflag:s16], $0x6400  }
0x195: {  	[sflag:s16] =	ssyncset.done $0x0  }
0x196: {  	s26 =	rddreg [dreg:$0x10];
	[sflag:s16] =	ssyncadd.s32 $0xFFFF9C00  }
0x197: {  	[hbm4b:s26+s2] =	stream.linear.scatter [tilespmem:s15], [sflag:$0x5], $0x6400, $0x38;
	[tilespmem:$0x1C200] =	vst v63  }
0x198: {  	_ =	swait.ge [sflag:s3], $0x6400  }
0x199: {  	[sflag:s3] =	ssyncset.done $0x0  }
0x19a: {  	[sflag:s3] =	ssyncadd.s32 $0xFFFF9C00  }
0x19b: {  	[tilespmem:s7], [sflag:$0x4] =	stream.indirect.gather [hbm4b:s9+s11], $0x20, s17, s11, $0xb8;
	[tilespmem:$0x1C200] =	vst v63  }
0x19c: {  	_ =	swait.ge [sflag:s14], $0x6400  }
0x19d: {  	[sflag:s14] =	ssyncset.done $0x0  }
0x19e: {  	s28 =	rddreg [dreg:$0x11];
	[sflag:s14] =	ssyncadd.s32 $0xFFFF9C00  }
0x19f: {  	[hbm4b:s28+s2] =	stream.linear.scatter [tilespmem:s10], [sflag:$0x6], $0x6400, $0x38;
	[tilespmem:$0x1C200] =	vst v63  }
0x1a0: {  	_ =	swait.ge [sflag:s13], $0x6400  }
0x1a1: {  	[sflag:s13] =	ssyncset.done $0x0  }
0x1a2: {  	s29 =	rddreg [dreg:$0x12];
	[sflag:s13] =	ssyncadd.s32 $0xFFFF9C00  }
0x1a3: {  	[hbm4b:s29+s2] =	stream.linear.scatter [tilespmem:s8], [sflag:$0x7], $0x6400, $0x38;
	[tilespmem:$0x1C200] =	vst v63  }
0x1a4: {  	_ =	swait.ge [sflag:s12], $0x6400  }
0x1a5: {  	[sflag:s12] =	ssyncset.done $0x0  }
0x1a6: {  	s30 =	rddreg [dreg:$0x13];
	[sflag:s12] =	ssyncadd.s32 $0xFFFF9C00  }
0x1a7: {  	[hbm4b:s30+s2] =	stream.linear.scatter [tilespmem:s7], [sflag:$0x8], $0x6400, $0x38;
	[tilespmem:$0x1C200] =	vst v63  }
0x1a8: {  	_ =	swait.ge [sflag:s4], $0x6400  }
0x1a9: {  	[sflag:s4] =	ssyncset.done $0x0  }
0x1aa: {  	[sflag:s4] =	ssyncadd.s32 $0xFFFF9C00  }
0x1ab: {  	_ =	swait.ge [sflag:s5], $0x6400  }
0x1ac: {  	[sflag:s5] =	ssyncset.done $0x0  }
0x1ad: {  	[sflag:s5] =	ssyncadd.s32 $0xFFFF9C00  }
0x1ae: {  	_ =	swait.ge [sflag:s6], $0x6400  }
0x1af: {  	[sflag:s6] =	ssyncset.done $0x0  }
0x1b0: {  	[sflag:s6] =	ssyncadd.s32 $0xFFFF9C00  }
0x1b1: {  	_ =	swait.ge [sflag:s3], $0x6400  }
0x1b2: {  	[sflag:s3] =	ssyncset.done $0x0  }
0x1b3: {  	[sflag:s3] =	ssyncadd.s32 $0xFFFF9C00  }
0x1b4: {  	_ =	sfence.sel $0x180000  }
0x1b5: {  	[bflag:$0x0] =	sbarrier.arrive $0xFFFF  }
0x1b6: {  	_ =	strace $0x90000047  }
0x1b7: {  	s31 =	stileid.u32;
	[bflag:$0x2] =	sbarrier.arrive $0xFFFF  }
0x1b8: {  	p0 =	sne.s32 s31, $0x0;
	s0 =	rddreg [dreg:$0x2]  }
0x1b9: {  	s0 =	sadd.s32 @!p0 $0x100000, s0  }
0x1ba: {  	[sflag:s0] =	ssyncadd.tile.s32 @!p0 $0x1;
	_ =	shalt  }
.Lfunc_end2:
_tile_overlayer_lowered:
.L_overlay_start_2:
0x1bb: {  	(tag) =	ssettag $0x2  }
0x1bc: {  	s0 =	rddreg [dreg:$0x0];
	s2 =	stileid.u32  }
0x1bd: {  	s1 =	rddreg [dreg:$0x1];
	p0 =	sne.s32 s2, $0x0  }
0x1be: {  	s3 =	rddreg [dreg:$0x2];
	[bflag:$0x3] =	sbarrier.arrive $0xFFFF;
	s2 =	simm.s32 @!p0 $0x1C09  }
0x1bf: {  	[timem:s3], [sflag:s2] =	dma.local @!p0 [hbm:s0], s1  }
0x1c0: {  	s0 =	simm.s32 @!p0 $0x9  }
0x1c1: {  	_ =	swait.ge @!p0 [sflag:s0], s1  }
0x1c2: {  	s1 =	ssub.s32 @!p0 $0x0, s1;
	[sflag:s0] =	ssyncset.done @!p0 $0x0  }
0x1c3: {  	[sflag:s0] =	ssyncadd.s32 @!p0 s1  }
0x1c4: {  	[bflag:$0x3] =	sbarrier.arrive $0xFFFF  }
0x1c5: {  	_ =	shalt  }

</sc_bundles>
